<compile_context>
chip_gen: v7x
topology: tpu7x:2x2x1
jax: 0.10.2.dev20260603
libtpu: 0.0.44.dev20260713+nightly
codegen_flags: <defaults>
</compile_context>

<pallas_src>
import functools

import jax
import jax.numpy as jnp
from jax import lax
from jax.experimental import pallas as pl
from jax.experimental.pallas import tpu as pltpu
from jax.experimental.pallas import tpu_sc as plsc

K_NN = 32
ROW_BLOCK = 256
DROP_BITS = 14
N_WORKERS = 32


def _mlp_body(pr_ref, w1_ref, b1_ref, w2_ref, b2_ref, w3_ref, b3_ref, f3_ref):
    p = pr_ref[0]
    f = jnp.maximum(jnp.dot(p, w1_ref[...], preferred_element_type=jnp.float32)
                    + b1_ref[...], 0.0)
    f = jnp.maximum(jnp.dot(f, w2_ref[...], preferred_element_type=jnp.float32)
                    + b2_ref[...], 0.0)
    f = jnp.maximum(jnp.dot(f, w3_ref[...], preferred_element_type=jnp.float32)
                    + b3_ref[...], 0.0)
    f3_ref[0] = f


def _lane_perm(v, idx):
    return lax.gather(
        v, idx[:, None],
        dimension_numbers=lax.GatherDimensionNumbers(
            offset_dims=(), collapsed_slice_dims=(0,), start_index_map=(0,)),
        slice_sizes=(1,),
        mode=lax.GatherScatterMode.PROMISE_IN_BOUNDS)


def _sc_kth_bits(x, y, z):
    B, N = x.shape
    rpw = (B * N) // N_WORKERS
    wpb = N // rpw
    n_chunks = N // 16
    mesh = plsc.VectorSubcoreMesh(core_axis_name="c", subcore_axis_name="s")

    @functools.partial(
        pl.kernel,
        out_type=(jax.ShapeDtypeStruct((N_WORKERS, rpw), jnp.int32),
                  jax.ShapeDtypeStruct((N_WORKERS, rpw), jnp.int32)),
        scratch_types=[
            pltpu.VMEM((N,), jnp.float32),
            pltpu.VMEM((N,), jnp.float32),
            pltpu.VMEM((N,), jnp.float32),
            pltpu.VMEM((16 * N,), jnp.float32),
            pltpu.VMEM((rpw,), jnp.int32),
            pltpu.VMEM((rpw,), jnp.int32),
        ],
        mesh=mesh,
    )
    def k(x_hbm, y_hbm, z_hbm, lo_hbm, hi_hbm, xv, yv, zv, d2v, lov, hiv):
        wid = lax.axis_index("s") * 2 + lax.axis_index("c")
        b = wid // wpb
        r0 = (wid % wpb) * rpw
        pltpu.sync_copy(x_hbm.at[b], xv)
        pltpu.sync_copy(y_hbm.at[b], yv)
        pltpu.sync_copy(z_hbm.at[b], zv)

        lane_ids = lax.iota(jnp.int32, 16)

        def group_body(g, carry):
            q0 = r0 + g * 16
            qx = xv[pl.ds(q0, 16)]
            qy = yv[pl.ds(q0, 16)]
            qz = zv[pl.ds(q0, 16)]

            def chunk(c, carry2):
                o = c * 16
                px = xv[pl.ds(o, 16)]
                py = yv[pl.ds(o, 16)]
                pz = zv[pl.ds(o, 16)]

                def rot(s, carry3):
                    idx = (lane_ids + s) & 15
                    dx = _lane_perm(px, idx) - qx
                    dy = _lane_perm(py, idx) - qy
                    dz = _lane_perm(pz, idx) - qz
                    d2v[pl.ds((c * 16 + s) * 16, 16)] = \
                        dx * dx + dy * dy + dz * dz
                    return carry3

                lax.fori_loop(0, 16, rot, 0, unroll=4)
                return carry2

            lax.fori_loop(0, n_chunks, chunk, 0)

            def sbody(i, t):
                shift = jnp.left_shift(jnp.int32(1), 30 - i)
                cand = t | jnp.full((16,), shift, jnp.int32)

                def cbody(c, cacc):
                    bits = lax.bitcast_convert_type(
                        d2v[pl.ds(c * 16, 16)], jnp.int32)
                    return cacc + jnp.where(bits < cand, 1, 0).astype(
                        jnp.int32)

                cntv = lax.fori_loop(0, N, cbody,
                                     jnp.zeros((16,), jnp.int32), unroll=8)
                return jnp.where(cntv < K_NN, cand, t)

            t = lax.fori_loop(0, 31 - DROP_BITS, sbody,
                              jnp.zeros((16,), jnp.int32))
            lov[pl.ds(g * 16, 16)] = t
            hiv[pl.ds(g * 16, 16)] = t + jnp.int32(1 << DROP_BITS)
            return carry

        lax.fori_loop(0, rpw // 16, group_body, 0)
        pltpu.sync_copy(lov, lo_hbm.at[wid])
        pltpu.sync_copy(hiv, hi_hbm.at[wid])

    lo, hi = k(x, y, z)
    return lo.reshape(B * N), hi.reshape(B * N)


def _pool_body(pr_ref, pt_ref, tp_ref, f3_ref, out_ref):
    q = pr_ref[0]
    pt = pt_ref[0]

    d2 = None
    for c in range(3):
        diff = q[:, c:c + 1] - pt[c:c + 1, :]
        sq = diff * diff
        d2 = sq if d2 is None else d2 + sq

    tlo = tp_ref[0][:, 0:1]
    thi = tp_ref[0][:, 1:2]
    ltf = jnp.where(d2 < tlo, 1.0, 0.0)
    lt2f = jnp.where(d2 < thi, 1.0, 0.0)
    eqf = lt2f - ltf
    m = jnp.sum(ltf, axis=1, keepdims=True)
    e = jnp.sum(eqf, axis=1, keepdims=True)
    tie_w = (float(K_NN) - m) / jnp.maximum(e, 1.0)
    w = ltf + eqf * tie_w

    out_ref[0] = jnp.dot(w, f3_ref[0], preferred_element_type=jnp.float32) \
        * (1.0 / K_NN)


def kernel(points, W1, b1, W2, b2, W3, b3):
    B, N, C = points.shape
    pr = jnp.pad(points, ((0, 0), (0, 0), (0, 8 - C)))
    pt = jnp.swapaxes(pr, 1, 2)
    w1p = jnp.pad(W1, ((0, 8 - C), (0, 0)))

    lo_bits, hi_bits = _sc_kth_bits(pt[:, 0, :], pt[:, 1, :], pt[:, 2, :])
    tlo = lax.bitcast_convert_type(lo_bits, jnp.float32).reshape(B, N, 1)
    thi = lax.bitcast_convert_type(hi_bits, jnp.float32).reshape(B, N, 1)
    tp = jnp.concatenate(
        [tlo, thi, jnp.zeros((B, N, 6), jnp.float32)], axis=-1)

    f3 = pl.pallas_call(
        _mlp_body,
        grid=(B,),
        in_specs=[
            pl.BlockSpec((1, N, 8), lambda b: (b, 0, 0)),
            pl.BlockSpec((8, 64), lambda b: (0, 0)),
            pl.BlockSpec((1, 64), lambda b: (0, 0)),
            pl.BlockSpec((64, 64), lambda b: (0, 0)),
            pl.BlockSpec((1, 64), lambda b: (0, 0)),
            pl.BlockSpec((64, 128), lambda b: (0, 0)),
            pl.BlockSpec((1, 128), lambda b: (0, 0)),
        ],
        out_specs=pl.BlockSpec((1, N, 128), lambda b: (b, 0, 0)),
        out_shape=jax.ShapeDtypeStruct((B, N, 128), jnp.float32),
    )(pr, w1p, b1[None], W2, b2[None], W3, b3[None])

    n_rb = N // ROW_BLOCK
    out = pl.pallas_call(
        _pool_body,
        grid=(B, n_rb),
        in_specs=[
            pl.BlockSpec((1, ROW_BLOCK, 8), lambda b, r: (b, r, 0)),
            pl.BlockSpec((1, 8, N), lambda b, r: (b, 0, 0)),
            pl.BlockSpec((1, ROW_BLOCK, 8), lambda b, r: (b, r, 0)),
            pl.BlockSpec((1, N, 128), lambda b, r: (b, 0, 0)),
        ],
        out_specs=pl.BlockSpec((1, ROW_BLOCK, 128), lambda b, r: (b, r, 0)),
        out_shape=jax.ShapeDtypeStruct((B, N, 128), jnp.float32),
    )(pr, pt, tp, f3)
    return out

# --- scband reference (transcript-rebuilt; emitter-appended) ---
"""Pipeline reference for scband-point-net-plus-plus-5016521802587 (READ-ONLY COPY).

The authoritative reference and input builder live on the scoring server;
editing this copy changes nothing except your own understanding.
"""

import jax, jax.numpy as jnp
import numpy as np

K_NN = 32


def setup_inputs(seed: int = 0) -> dict:
    key = jax.random.key(seed)
    ks = jax.random.split(key, 7)
    points = jax.random.normal(ks[0], (8, 2048, 3), dtype=jnp.float32)
    # Conv2D with kernel size 1 == pointwise Dense over last dim
    W1 = jax.random.normal(ks[1], (3, 64), dtype=jnp.float32) * 0.1
    b1 = jnp.zeros((64,), dtype=jnp.float32)
    W2 = jax.random.normal(ks[2], (64, 64), dtype=jnp.float32) * 0.1
    b2 = jnp.zeros((64,), dtype=jnp.float32)
    W3 = jax.random.normal(ks[3], (64, 128), dtype=jnp.float32) * 0.1
    b3 = jnp.zeros((128,), dtype=jnp.float32)
    return {"points": points, "W1": W1, "b1": b1, "W2": W2, "b2": b2, "W3": W3, "b3": b3}


def reference(points, W1, b1, W2, b2, W3, b3):
    # SetAbstraction.get_knn_indices: full pairwise euclidean distance + argsort top-k
    diff = points[:, :, None, :] - points[:, None, :, :]          # [B, N, N, C]
    dist = jnp.sqrt(jnp.sum(diff * diff, axis=-1))                # [B, N, N]
    knn_idx = jnp.argsort(dist, axis=-1)[:, :, :K_NN]             # [B, N, K]
    # tf.gather(points, knn_indices, batch_dims=1)
    neighbors = jax.vmap(lambda p, i: p[i])(points, knn_idx)      # [B, N, K, C]
    # MLP stack (Conv2D 1x1 + relu)
    f = jax.nn.relu(neighbors @ W1 + b1)
    f = jax.nn.relu(f @ W2 + b2)
    f = jax.nn.relu(f @ W3 + b3)
    # tf.reduce_mean over the neighbor axis (axis=2)
    feature = jnp.mean(f, axis=2)                                 # [B, N, 128]
    return feature

if __name__ == "__main__":
    import jax
    _d = setup_inputs()
    print(jax.jit(kernel)(*tuple(_d.values())))

</pallas_src>

<mosaic_0001>
#map = affine_map<(d0, d1) -> (0, 0)>
module attributes {stable_mosaic.version = 14 : i64} {
  func.func @k(%arg0: i32, %arg1: i32, %arg2: memref<8x2048xf32, #tpu.memory_space<hbm>>, %arg3: memref<8x2048xf32, #tpu.memory_space<hbm>>, %arg4: memref<8x2048xf32, #tpu.memory_space<hbm>>, %arg5: memref<32x512xi32, #tpu.memory_space<hbm>>, %arg6: memref<32x512xi32, #tpu.memory_space<hbm>>, %arg7: memref<2048xf32, #tpu.memory_space<vmem>>, %arg8: memref<2048xf32, #tpu.memory_space<vmem>>, %arg9: memref<2048xf32, #tpu.memory_space<vmem>>, %arg10: memref<32768xf32, #tpu.memory_space<vmem>>, %arg11: memref<512xi32, #tpu.memory_space<vmem>>, %arg12: memref<512xi32, #tpu.memory_space<vmem>>) attributes {dimension_semantics = [#tpu.dimension_semantics<core_parallel>, #tpu.dimension_semantics<subcore_parallel>], iteration_bounds = array<i64: 2, 16>, scalar_prefetch = 0 : i64, scratch_operands = 6 : i64, tpu.core_type = #tpu.core_type<sc_vector_subcore>, window_params = [{transform_indices = #map}, {transform_indices = #map}, {transform_indices = #map}, {transform_indices = #map}, {transform_indices = #map}]} {
    %mul3A = arith.constant 2 : i32
    %mul3A_0 = arith.muli %arg1, %mul3A : i32
    %add3A = arith.addi %mul3A_0, %arg0 : i32
    %jit3A = arith.constant 4 : i32
    %div3A = arith.divsi %add3A, %jit3A : i32
    %sign3A = arith.constant 0 : i32
    %sign3A_1 = arith.cmpi sgt, %add3A, %sign3A : i32
    %sign3A_2 = arith.extui %sign3A_1 : i1 to i32
    %sign3A_3 = arith.constant 0 : i32
    %sign3A_4 = arith.cmpi slt, %add3A, %sign3A_3 : i32
    %sign3A_5 = arith.extui %sign3A_4 : i1 to i32
    %sign3A_6 = arith.subi %sign3A_2, %sign3A_5 : i32
    %sign3A_7 = arith.constant 0 : i32
    %sign3A_8 = arith.cmpi sgt, %jit3A, %sign3A_7 : i32
    %sign3A_9 = arith.extui %sign3A_8 : i1 to i32
    %sign3A_10 = arith.constant 0 : i32
    %sign3A_11 = arith.cmpi slt, %jit3A, %sign3A_10 : i32
    %sign3A_12 = arith.extui %sign3A_11 : i1 to i32
    %sign3A_13 = arith.subi %sign3A_9, %sign3A_12 : i32
    %ne3A = arith.cmpi ne, %sign3A_6, %sign3A_13 : i32
    %rem3A = arith.remsi %add3A, %jit3A : i32
    %ne3A_14 = arith.constant 0 : i32
    %ne3A_15 = arith.cmpi ne, %rem3A, %ne3A_14 : i32
    %and3A = arith.andi %ne3A, %ne3A_15 : i1
    %sub3A = arith.constant 1 : i32
    %sub3A_16 = arith.subi %div3A, %sub3A : i32
    %select_n3A = arith.select %and3A, %sub3A_16, %div3A : i32
    %jit3A_17 = arith.constant 4 : i32
    %eq3A = arith.constant 0 : i32
    %eq3A_18 = arith.cmpi eq, %jit3A_17, %eq3A : i32
    %jit3A_19 = arith.constant 1 : i32
    %select_n3A_20 = arith.select %eq3A_18, %jit3A_19, %jit3A_17 : i32
    %rem3A_21 = arith.remsi %add3A, %select_n3A_20 : i32
    %ne3A_22 = arith.constant 0 : i32
    %ne3A_23 = arith.cmpi ne, %rem3A_21, %ne3A_22 : i32
    %lt3A = arith.constant 0 : i32
    %lt3A_24 = arith.cmpi slt, %rem3A_21, %lt3A : i32
    %lt3A_25 = arith.constant 0 : i32
    %lt3A_26 = arith.cmpi slt, %select_n3A_20, %lt3A_25 : i32
    %ne3A_27 = arith.xori %lt3A_24, %lt3A_26 : i1
    %and3A_28 = arith.andi %ne3A_27, %ne3A_23 : i1
    %add3A_29 = arith.addi %rem3A_21, %select_n3A_20 : i32
    %select_n3A_30 = arith.select %and3A_28, %add3A_29, %rem3A_21 : i32
    %mul3A_31 = arith.constant 512 : i32
    %mul3A_32 = arith.muli %select_n3A_30, %mul3A_31 : i32
    "tpu.region"() ({
      %run_scoped3A = tpu.sem_alloc : memref<!tpu.dma_semaphore, #tpu.memory_space<semaphore_mem>>
      %dma_start3A = arith.constant 0 : i32
      %dma_start3A_38 = tpu.memref_slice %arg2[%select_n3A, %dma_start3A] : memref<8x2048xf32, #tpu.memory_space<hbm>> -> memref<1x2048xf32, #tpu.memory_space<hbm>>
      %dma_start3A_39 = tpu.memref_squeeze %dma_start3A_38 : memref<1x2048xf32, #tpu.memory_space<hbm>> -> memref<2048xf32, #tpu.memory_space<hbm>>
      %dma_start3A_40 = arith.constant 0 : i32
      %dma_start3A_41 = tpu.memref_slice %arg2[%select_n3A, %dma_start3A_40] : memref<8x2048xf32, #tpu.memory_space<hbm>> -> memref<1x2048xf32, #tpu.memory_space<hbm>>
      %dma_start3A_42 = tpu.memref_squeeze %dma_start3A_41 : memref<1x2048xf32, #tpu.memory_space<hbm>> -> memref<2048xf32, #tpu.memory_space<hbm>>
      tpu.enqueue_dma source(%dma_start3A_42 : memref<2048xf32, #tpu.memory_space<hbm>>) target(%arg7 : memref<2048xf32, #tpu.memory_space<vmem>>) target_semaphore(%run_scoped3A : memref<!tpu.dma_semaphore, #tpu.memory_space<semaphore_mem>>)
      %dma_wait3A = arith.constant 0 : i32
      %dma_wait3A_43 = tpu.memref_slice %arg2[%select_n3A, %dma_wait3A] : memref<8x2048xf32, #tpu.memory_space<hbm>> -> memref<1x2048xf32, #tpu.memory_space<hbm>>
      %dma_wait3A_44 = tpu.memref_squeeze %dma_wait3A_43 : memref<1x2048xf32, #tpu.memory_space<hbm>> -> memref<2048xf32, #tpu.memory_space<hbm>>
      %dma_wait3A_45 = arith.constant 0 : i32
      %dma_wait3A_46 = tpu.memref_slice %arg2[%select_n3A, %dma_wait3A_45] : memref<8x2048xf32, #tpu.memory_space<hbm>> -> memref<1x2048xf32, #tpu.memory_space<hbm>>
      %dma_wait3A_47 = tpu.memref_squeeze %dma_wait3A_46 : memref<1x2048xf32, #tpu.memory_space<hbm>> -> memref<2048xf32, #tpu.memory_space<hbm>>
      tpu.wait_dma2 semaphore(%run_scoped3A : memref<!tpu.dma_semaphore, #tpu.memory_space<semaphore_mem>>) src(%dma_wait3A_47 : memref<2048xf32, #tpu.memory_space<hbm>>) dst(%arg7 : memref<2048xf32, #tpu.memory_space<vmem>>)
      tpu.yield
    }) : () -> ()
    "tpu.region"() ({
      %run_scoped3A = tpu.sem_alloc : memref<!tpu.dma_semaphore, #tpu.memory_space<semaphore_mem>>
      %dma_start3A = arith.constant 0 : i32
      %dma_start3A_38 = tpu.memref_slice %arg3[%select_n3A, %dma_start3A] : memref<8x2048xf32, #tpu.memory_space<hbm>> -> memref<1x2048xf32, #tpu.memory_space<hbm>>
      %dma_start3A_39 = tpu.memref_squeeze %dma_start3A_38 : memref<1x2048xf32, #tpu.memory_space<hbm>> -> memref<2048xf32, #tpu.memory_space<hbm>>
      %dma_start3A_40 = arith.constant 0 : i32
      %dma_start3A_41 = tpu.memref_slice %arg3[%select_n3A, %dma_start3A_40] : memref<8x2048xf32, #tpu.memory_space<hbm>> -> memref<1x2048xf32, #tpu.memory_space<hbm>>
      %dma_start3A_42 = tpu.memref_squeeze %dma_start3A_41 : memref<1x2048xf32, #tpu.memory_space<hbm>> -> memref<2048xf32, #tpu.memory_space<hbm>>
      tpu.enqueue_dma source(%dma_start3A_42 : memref<2048xf32, #tpu.memory_space<hbm>>) target(%arg8 : memref<2048xf32, #tpu.memory_space<vmem>>) target_semaphore(%run_scoped3A : memref<!tpu.dma_semaphore, #tpu.memory_space<semaphore_mem>>)
      %dma_wait3A = arith.constant 0 : i32
      %dma_wait3A_43 = tpu.memref_slice %arg3[%select_n3A, %dma_wait3A] : memref<8x2048xf32, #tpu.memory_space<hbm>> -> memref<1x2048xf32, #tpu.memory_space<hbm>>
      %dma_wait3A_44 = tpu.memref_squeeze %dma_wait3A_43 : memref<1x2048xf32, #tpu.memory_space<hbm>> -> memref<2048xf32, #tpu.memory_space<hbm>>
      %dma_wait3A_45 = arith.constant 0 : i32
      %dma_wait3A_46 = tpu.memref_slice %arg3[%select_n3A, %dma_wait3A_45] : memref<8x2048xf32, #tpu.memory_space<hbm>> -> memref<1x2048xf32, #tpu.memory_space<hbm>>
      %dma_wait3A_47 = tpu.memref_squeeze %dma_wait3A_46 : memref<1x2048xf32, #tpu.memory_space<hbm>> -> memref<2048xf32, #tpu.memory_space<hbm>>
      tpu.wait_dma2 semaphore(%run_scoped3A : memref<!tpu.dma_semaphore, #tpu.memory_space<semaphore_mem>>) src(%dma_wait3A_47 : memref<2048xf32, #tpu.memory_space<hbm>>) dst(%arg8 : memref<2048xf32, #tpu.memory_space<vmem>>)
      tpu.yield
    }) : () -> ()
    "tpu.region"() ({
      %run_scoped3A = tpu.sem_alloc : memref<!tpu.dma_semaphore, #tpu.memory_space<semaphore_mem>>
      %dma_start3A = arith.constant 0 : i32
      %dma_start3A_38 = tpu.memref_slice %arg4[%select_n3A, %dma_start3A] : memref<8x2048xf32, #tpu.memory_space<hbm>> -> memref<1x2048xf32, #tpu.memory_space<hbm>>
      %dma_start3A_39 = tpu.memref_squeeze %dma_start3A_38 : memref<1x2048xf32, #tpu.memory_space<hbm>> -> memref<2048xf32, #tpu.memory_space<hbm>>
      %dma_start3A_40 = arith.constant 0 : i32
      %dma_start3A_41 = tpu.memref_slice %arg4[%select_n3A, %dma_start3A_40] : memref<8x2048xf32, #tpu.memory_space<hbm>> -> memref<1x2048xf32, #tpu.memory_space<hbm>>
      %dma_start3A_42 = tpu.memref_squeeze %dma_start3A_41 : memref<1x2048xf32, #tpu.memory_space<hbm>> -> memref<2048xf32, #tpu.memory_space<hbm>>
      tpu.enqueue_dma source(%dma_start3A_42 : memref<2048xf32, #tpu.memory_space<hbm>>) target(%arg9 : memref<2048xf32, #tpu.memory_space<vmem>>) target_semaphore(%run_scoped3A : memref<!tpu.dma_semaphore, #tpu.memory_space<semaphore_mem>>)
      %dma_wait3A = arith.constant 0 : i32
      %dma_wait3A_43 = tpu.memref_slice %arg4[%select_n3A, %dma_wait3A] : memref<8x2048xf32, #tpu.memory_space<hbm>> -> memref<1x2048xf32, #tpu.memory_space<hbm>>
      %dma_wait3A_44 = tpu.memref_squeeze %dma_wait3A_43 : memref<1x2048xf32, #tpu.memory_space<hbm>> -> memref<2048xf32, #tpu.memory_space<hbm>>
      %dma_wait3A_45 = arith.constant 0 : i32
      %dma_wait3A_46 = tpu.memref_slice %arg4[%select_n3A, %dma_wait3A_45] : memref<8x2048xf32, #tpu.memory_space<hbm>> -> memref<1x2048xf32, #tpu.memory_space<hbm>>
      %dma_wait3A_47 = tpu.memref_squeeze %dma_wait3A_46 : memref<1x2048xf32, #tpu.memory_space<hbm>> -> memref<2048xf32, #tpu.memory_space<hbm>>
      tpu.wait_dma2 semaphore(%run_scoped3A : memref<!tpu.dma_semaphore, #tpu.memory_space<semaphore_mem>>) src(%dma_wait3A_47 : memref<2048xf32, #tpu.memory_space<hbm>>) dst(%arg9 : memref<2048xf32, #tpu.memory_space<vmem>>)
      tpu.yield
    }) : () -> ()
    %iota3A = tpu.iota {dimensions = array<i32: 0>} : vector<16xi32>
    %scan3A = arith.constant 0 : i32
    %scan3A_33 = arith.constant 0 : i32
    %scan3A_34 = arith.constant 32 : i32
    %scan3A_35 = arith.addi %scan3A_33, %scan3A_34 : i32
    %scan3A_36 = arith.constant 1 : i32
    scf.for %scan3A_38 = %scan3A_33 to %scan3A_35 step %scan3A_36  : i32 {
      %mul3A_39 = arith.constant 16 : i32
      %mul3A_40 = arith.muli %scan3A_38, %mul3A_39 : i32
      %add3A_41 = arith.addi %mul3A_32, %mul3A_40 : i32
      %get3A = arith.index_cast %add3A_41 : i32 to index
      %get3A_42 = tpu.vector_load %arg7[%get3A] {strides = array<i32>} : memref<2048xf32, #tpu.memory_space<vmem>>, vector<16xf32>,
      %get3A_43 = vector.shape_cast %get3A_42 : vector<16xf32> to vector<16xf32>
      %get3A_44 = arith.index_cast %add3A_41 : i32 to index
      %get3A_45 = tpu.vector_load %arg8[%get3A_44] {strides = array<i32>} : memref<2048xf32, #tpu.memory_space<vmem>>, vector<16xf32>,
      %get3A_46 = vector.shape_cast %get3A_45 : vector<16xf32> to vector<16xf32>
      %get3A_47 = arith.index_cast %add3A_41 : i32 to index
      %get3A_48 = tpu.vector_load %arg9[%get3A_47] {strides = array<i32>} : memref<2048xf32, #tpu.memory_space<vmem>>, vector<16xf32>,
      %get3A_49 = vector.shape_cast %get3A_48 : vector<16xf32> to vector<16xf32>
      %scan3A_50 = arith.constant 0 : i32
      %scan3A_51 = arith.constant 0 : i32
      %scan3A_52 = arith.constant 128 : i32
      %scan3A_53 = arith.addi %scan3A_51, %scan3A_52 : i32
      %scan3A_54 = arith.constant 1 : i32
      scf.for %scan3A_77 = %scan3A_51 to %scan3A_53 step %scan3A_54  : i32 {
        %mul3A_78 = arith.constant 16 : i32
        %mul3A_79 = arith.muli %scan3A_77, %mul3A_78 : i32
        %get3A_80 = arith.index_cast %mul3A_79 : i32 to index
        %get3A_81 = tpu.vector_load %arg7[%get3A_80] {strides = array<i32>} : memref<2048xf32, #tpu.memory_space<vmem>>, vector<16xf32>,
        %get3A_82 = vector.shape_cast %get3A_81 : vector<16xf32> to vector<16xf32>
        %get3A_83 = arith.index_cast %mul3A_79 : i32 to index
        %get3A_84 = tpu.vector_load %arg8[%get3A_83] {strides = array<i32>} : memref<2048xf32, #tpu.memory_space<vmem>>, vector<16xf32>,
        %get3A_85 = vector.shape_cast %get3A_84 : vector<16xf32> to vector<16xf32>
        %get3A_86 = arith.index_cast %mul3A_79 : i32 to index
        %get3A_87 = tpu.vector_load %arg9[%get3A_86] {strides = array<i32>} : memref<2048xf32, #tpu.memory_space<vmem>>, vector<16xf32>,
        %get3A_88 = vector.shape_cast %get3A_87 : vector<16xf32> to vector<16xf32>
        %scan3A_89 = arith.constant 0 : i32
        %scan3A_90 = arith.constant 0 : i32
        %scan3A_91 = arith.constant 16 : i32
        %scan3A_92 = arith.addi %scan3A_90, %scan3A_91 : i32
        %scan3A_93 = arith.constant 4 : i32
        scf.for %scan3A_95 = %scan3A_90 to %scan3A_92 step %scan3A_93  : i32 {
          %add3A_96 = vector.broadcast %scan3A_95 : i32 to vector<16xi32>
          %add3A_97 = arith.addi %iota3A, %add3A_96 : vector<16xi32>
          %and3A_98 = arith.constant 15 : i32
          %and3A_99 = vector.broadcast %and3A_98 : i32 to vector<16xi32>
          %and3A_100 = arith.andi %add3A_97, %and3A_99 : vector<16xi32>
          %broadcast_in_dim3A_101 = vector.shape_cast %and3A_100 : vector<16xi32> to vector<16x1xi32>
          %gather3A = vector.shape_cast %broadcast_in_dim3A_101 : vector<16x1xi32> to vector<16xi32>
          %gather3A_102 = tpu.dynamic_gather %get3A_82[%gather3A] in [0] : vector<16xf32>, vector<16xi32> -> vector<16xf32>
          %sub3A_103 = arith.subf %gather3A_102, %get3A_43 : vector<16xf32>
          %broadcast_in_dim3A_104 = vector.shape_cast %and3A_100 : vector<16xi32> to vector<16x1xi32>
          %gather3A_105 = vector.shape_cast %broadcast_in_dim3A_104 : vector<16x1xi32> to vector<16xi32>
          %gather3A_106 = tpu.dynamic_gather %get3A_85[%gather3A_105] in [0] : vector<16xf32>, vector<16xi32> -> vector<16xf32>
          %sub3A_107 = arith.subf %gather3A_106, %get3A_46 : vector<16xf32>
          %broadcast_in_dim3A_108 = vector.shape_cast %and3A_100 : vector<16xi32> to vector<16x1xi32>
          %gather3A_109 = vector.shape_cast %broadcast_in_dim3A_108 : vector<16x1xi32> to vector<16xi32>
          %gather3A_110 = tpu.dynamic_gather %get3A_88[%gather3A_109] in [0] : vector<16xf32>, vector<16xi32> -> vector<16xf32>
          %sub3A_111 = arith.subf %gather3A_110, %get3A_49 : vector<16xf32>
          %mul3A_112 = arith.mulf %sub3A_103, %sub3A_103 : vector<16xf32>
          %mul3A_113 = arith.mulf %sub3A_107, %sub3A_107 : vector<16xf32>
          %add3A_114 = arith.addf %mul3A_112, %mul3A_113 : vector<16xf32>
          %mul3A_115 = arith.mulf %sub3A_111, %sub3A_111 : vector<16xf32>
          %add3A_116 = arith.addf %add3A_114, %mul3A_115 : vector<16xf32>
          %mul3A_117 = arith.constant 16 : i32
          %mul3A_118 = arith.muli %scan3A_77, %mul3A_117 : i32
          %add3A_119 = arith.addi %mul3A_118, %scan3A_95 : i32
          %mul3A_120 = arith.constant 16 : i32
          %mul3A_121 = arith.muli %add3A_119, %mul3A_120 : i32
          %swap3A_122 = arith.index_cast %mul3A_121 : i32 to index
          %swap3A_123 = tpu.vector_load %arg10[%swap3A_122] {strides = array<i32>} : memref<32768xf32, #tpu.memory_space<vmem>>, vector<16xf32>,
          %swap3A_124 = vector.shape_cast %swap3A_123 : vector<16xf32> to vector<16xf32>
          %swap3A_125 = vector.shape_cast %add3A_116 : vector<16xf32> to vector<16xf32>
          tpu.vector_store %arg10[%swap3A_122], %swap3A_125 {strides = array<i32>} : memref<32768xf32, #tpu.memory_space<vmem>>, vector<16xf32>,
          %scan3A_126 = arith.constant 1 : i32
          %scan3A_127 = arith.addi %scan3A_95, %scan3A_126 : i32
          %add3A_128 = vector.broadcast %scan3A_127 : i32 to vector<16xi32>
          %add3A_129 = arith.addi %iota3A, %add3A_128 : vector<16xi32>
          %and3A_130 = arith.constant 15 : i32
          %and3A_131 = vector.broadcast %and3A_130 : i32 to vector<16xi32>
          %and3A_132 = arith.andi %add3A_129, %and3A_131 : vector<16xi32>
          %broadcast_in_dim3A_133 = vector.shape_cast %and3A_132 : vector<16xi32> to vector<16x1xi32>
          %gather3A_134 = vector.shape_cast %broadcast_in_dim3A_133 : vector<16x1xi32> to vector<16xi32>
          %gather3A_135 = tpu.dynamic_gather %get3A_82[%gather3A_134] in [0] : vector<16xf32>, vector<16xi32> -> vector<16xf32>
          %sub3A_136 = arith.subf %gather3A_135, %get3A_43 : vector<16xf32>
          %broadcast_in_dim3A_137 = vector.shape_cast %and3A_132 : vector<16xi32> to vector<16x1xi32>
          %gather3A_138 = vector.shape_cast %broadcast_in_dim3A_137 : vector<16x1xi32> to vector<16xi32>
          %gather3A_139 = tpu.dynamic_gather %get3A_85[%gather3A_138] in [0] : vector<16xf32>, vector<16xi32> -> vector<16xf32>
          %sub3A_140 = arith.subf %gather3A_139, %get3A_46 : vector<16xf32>
          %broadcast_in_dim3A_141 = vector.shape_cast %and3A_132 : vector<16xi32> to vector<16x1xi32>
          %gather3A_142 = vector.shape_cast %broadcast_in_dim3A_141 : vector<16x1xi32> to vector<16xi32>
          %gather3A_143 = tpu.dynamic_gather %get3A_88[%gather3A_142] in [0] : vector<16xf32>, vector<16xi32> -> vector<16xf32>
          %sub3A_144 = arith.subf %gather3A_143, %get3A_49 : vector<16xf32>
          %mul3A_145 = arith.mulf %sub3A_136, %sub3A_136 : vector<16xf32>
          %mul3A_146 = arith.mulf %sub3A_140, %sub3A_140 : vector<16xf32>
          %add3A_147 = arith.addf %mul3A_145, %mul3A_146 : vector<16xf32>
          %mul3A_148 = arith.mulf %sub3A_144, %sub3A_144 : vector<16xf32>
          %add3A_149 = arith.addf %add3A_147, %mul3A_148 : vector<16xf32>
          %mul3A_150 = arith.constant 16 : i32
          %mul3A_151 = arith.muli %scan3A_77, %mul3A_150 : i32
          %add3A_152 = arith.addi %mul3A_151, %scan3A_127 : i32
          %mul3A_153 = arith.constant 16 : i32
          %mul3A_154 = arith.muli %add3A_152, %mul3A_153 : i32
          %swap3A_155 = arith.index_cast %mul3A_154 : i32 to index
          %swap3A_156 = tpu.vector_load %arg10[%swap3A_155] {strides = array<i32>} : memref<32768xf32, #tpu.memory_space<vmem>>, vector<16xf32>,
          %swap3A_157 = vector.shape_cast %swap3A_156 : vector<16xf32> to vector<16xf32>
          %swap3A_158 = vector.shape_cast %add3A_149 : vector<16xf32> to vector<16xf32>
          tpu.vector_store %arg10[%swap3A_155], %swap3A_158 {strides = array<i32>} : memref<32768xf32, #tpu.memory_space<vmem>>, vector<16xf32>,
          %scan3A_159 = arith.constant 2 : i32
          %scan3A_160 = arith.addi %scan3A_95, %scan3A_159 : i32
          %add3A_161 = vector.broadcast %scan3A_160 : i32 to vector<16xi32>
          %add3A_162 = arith.addi %iota3A, %add3A_161 : vector<16xi32>
          %and3A_163 = arith.constant 15 : i32
          %and3A_164 = vector.broadcast %and3A_163 : i32 to vector<16xi32>
          %and3A_165 = arith.andi %add3A_162, %and3A_164 : vector<16xi32>
          %broadcast_in_dim3A_166 = vector.shape_cast %and3A_165 : vector<16xi32> to vector<16x1xi32>
          %gather3A_167 = vector.shape_cast %broadcast_in_dim3A_166 : vector<16x1xi32> to vector<16xi32>
          %gather3A_168 = tpu.dynamic_gather %get3A_82[%gather3A_167] in [0] : vector<16xf32>, vector<16xi32> -> vector<16xf32>
          %sub3A_169 = arith.subf %gather3A_168, %get3A_43 : vector<16xf32>
          %broadcast_in_dim3A_170 = vector.shape_cast %and3A_165 : vector<16xi32> to vector<16x1xi32>
          %gather3A_171 = vector.shape_cast %broadcast_in_dim3A_170 : vector<16x1xi32> to vector<16xi32>
          %gather3A_172 = tpu.dynamic_gather %get3A_85[%gather3A_171] in [0] : vector<16xf32>, vector<16xi32> -> vector<16xf32>
          %sub3A_173 = arith.subf %gather3A_172, %get3A_46 : vector<16xf32>
          %broadcast_in_dim3A_174 = vector.shape_cast %and3A_165 : vector<16xi32> to vector<16x1xi32>
          %gather3A_175 = vector.shape_cast %broadcast_in_dim3A_174 : vector<16x1xi32> to vector<16xi32>
          %gather3A_176 = tpu.dynamic_gather %get3A_88[%gather3A_175] in [0] : vector<16xf32>, vector<16xi32> -> vector<16xf32>
          %sub3A_177 = arith.subf %gather3A_176, %get3A_49 : vector<16xf32>
          %mul3A_178 = arith.mulf %sub3A_169, %sub3A_169 : vector<16xf32>
          %mul3A_179 = arith.mulf %sub3A_173, %sub3A_173 : vector<16xf32>
          %add3A_180 = arith.addf %mul3A_178, %mul3A_179 : vector<16xf32>
          %mul3A_181 = arith.mulf %sub3A_177, %sub3A_177 : vector<16xf32>
          %add3A_182 = arith.addf %add3A_180, %mul3A_181 : vector<16xf32>
          %mul3A_183 = arith.constant 16 : i32
          %mul3A_184 = arith.muli %scan3A_77, %mul3A_183 : i32
          %add3A_185 = arith.addi %mul3A_184, %scan3A_160 : i32
          %mul3A_186 = arith.constant 16 : i32
          %mul3A_187 = arith.muli %add3A_185, %mul3A_186 : i32
          %swap3A_188 = arith.index_cast %mul3A_187 : i32 to index
          %swap3A_189 = tpu.vector_load %arg10[%swap3A_188] {strides = array<i32>} : memref<32768xf32, #tpu.memory_space<vmem>>, vector<16xf32>,
          %swap3A_190 = vector.shape_cast %swap3A_189 : vector<16xf32> to vector<16xf32>
          %swap3A_191 = vector.shape_cast %add3A_182 : vector<16xf32> to vector<16xf32>
          tpu.vector_store %arg10[%swap3A_188], %swap3A_191 {strides = array<i32>} : memref<32768xf32, #tpu.memory_space<vmem>>, vector<16xf32>,
          %scan3A_192 = arith.constant 3 : i32
          %scan3A_193 = arith.addi %scan3A_95, %scan3A_192 : i32
          %add3A_194 = vector.broadcast %scan3A_193 : i32 to vector<16xi32>
          %add3A_195 = arith.addi %iota3A, %add3A_194 : vector<16xi32>
          %and3A_196 = arith.constant 15 : i32
          %and3A_197 = vector.broadcast %and3A_196 : i32 to vector<16xi32>
          %and3A_198 = arith.andi %add3A_195, %and3A_197 : vector<16xi32>
          %broadcast_in_dim3A_199 = vector.shape_cast %and3A_198 : vector<16xi32> to vector<16x1xi32>
          %gather3A_200 = vector.shape_cast %broadcast_in_dim3A_199 : vector<16x1xi32> to vector<16xi32>
          %gather3A_201 = tpu.dynamic_gather %get3A_82[%gather3A_200] in [0] : vector<16xf32>, vector<16xi32> -> vector<16xf32>
          %sub3A_202 = arith.subf %gather3A_201, %get3A_43 : vector<16xf32>
          %broadcast_in_dim3A_203 = vector.shape_cast %and3A_198 : vector<16xi32> to vector<16x1xi32>
          %gather3A_204 = vector.shape_cast %broadcast_in_dim3A_203 : vector<16x1xi32> to vector<16xi32>
          %gather3A_205 = tpu.dynamic_gather %get3A_85[%gather3A_204] in [0] : vector<16xf32>, vector<16xi32> -> vector<16xf32>
          %sub3A_206 = arith.subf %gather3A_205, %get3A_46 : vector<16xf32>
          %broadcast_in_dim3A_207 = vector.shape_cast %and3A_198 : vector<16xi32> to vector<16x1xi32>
          %gather3A_208 = vector.shape_cast %broadcast_in_dim3A_207 : vector<16x1xi32> to vector<16xi32>
          %gather3A_209 = tpu.dynamic_gather %get3A_88[%gather3A_208] in [0] : vector<16xf32>, vector<16xi32> -> vector<16xf32>
          %sub3A_210 = arith.subf %gather3A_209, %get3A_49 : vector<16xf32>
          %mul3A_211 = arith.mulf %sub3A_202, %sub3A_202 : vector<16xf32>
          %mul3A_212 = arith.mulf %sub3A_206, %sub3A_206 : vector<16xf32>
          %add3A_213 = arith.addf %mul3A_211, %mul3A_212 : vector<16xf32>
          %mul3A_214 = arith.mulf %sub3A_210, %sub3A_210 : vector<16xf32>
          %add3A_215 = arith.addf %add3A_213, %mul3A_214 : vector<16xf32>
          %mul3A_216 = arith.constant 16 : i32
          %mul3A_217 = arith.muli %scan3A_77, %mul3A_216 : i32
          %add3A_218 = arith.addi %mul3A_217, %scan3A_193 : i32
          %mul3A_219 = arith.constant 16 : i32
          %mul3A_220 = arith.muli %add3A_218, %mul3A_219 : i32
          %swap3A_221 = arith.index_cast %mul3A_220 : i32 to index
          %swap3A_222 = tpu.vector_load %arg10[%swap3A_221] {strides = array<i32>} : memref<32768xf32, #tpu.memory_space<vmem>>, vector<16xf32>,
          %swap3A_223 = vector.shape_cast %swap3A_222 : vector<16xf32> to vector<16xf32>
          %swap3A_224 = vector.shape_cast %add3A_215 : vector<16xf32> to vector<16xf32>
          tpu.vector_store %arg10[%swap3A_221], %swap3A_224 {strides = array<i32>} : memref<32768xf32, #tpu.memory_space<vmem>>, vector<16xf32>,
        }
        %scan3A_94 = arith.constant 16 : i32
      }
      %scan3A_55 = arith.constant 128 : i32
      %broadcast_in_dim3A = arith.constant 0 : i32
      %broadcast_in_dim3A_56 = vector.broadcast %broadcast_in_dim3A : i32 to vector<16xi32>
      %scan3A_57 = arith.constant 0 : i32
      %scan3A_58 = arith.constant 17 : i32
      %scan3A_59 = arith.addi %scan3A_57, %scan3A_58 : i32
      %scan3A_60 = arith.constant 1 : i32
      %scan3A_61 = scf.for %scan3A_77 = %scan3A_57 to %scan3A_59 step %scan3A_60 iter_args(%scan3A_78 = %broadcast_in_dim3A_56) -> (vector<16xi32>)  : i32 {
        %sub3A_79 = arith.constant 30 : i32
        %sub3A_80 = arith.subi %sub3A_79, %scan3A_77 : i32
        %shift_left3A = arith.constant 1 : i32
        %shift_left3A_81 = arith.shli %shift_left3A, %sub3A_80 : i32
        %broadcast_in_dim3A_82 = vector.broadcast %shift_left3A_81 : i32 to vector<16xi32>
        %or3A = arith.ori %scan3A_78, %broadcast_in_dim3A_82 : vector<16xi32>
        %broadcast_in_dim3A_83 = arith.constant 0 : i32
        %broadcast_in_dim3A_84 = vector.broadcast %broadcast_in_dim3A_83 : i32 to vector<16xi32>
        %scan3A_85 = arith.constant 0 : i32
        %scan3A_86 = arith.constant 2048 : i32
        %scan3A_87 = arith.addi %scan3A_85, %scan3A_86 : i32
        %scan3A_88 = arith.constant 8 : i32
        %scan3A_89 = scf.for %scan3A_95 = %scan3A_85 to %scan3A_87 step %scan3A_88 iter_args(%scan3A_96 = %broadcast_in_dim3A_84) -> (vector<16xi32>)  : i32 {
          %mul3A_97 = arith.constant 16 : i32
          %mul3A_98 = arith.muli %scan3A_95, %mul3A_97 : i32
          %get3A_99 = arith.index_cast %mul3A_98 : i32 to index
          %get3A_100 = tpu.vector_load %arg10[%get3A_99] {strides = array<i32>} : memref<32768xf32, #tpu.memory_space<vmem>>, vector<16xf32>,
          %get3A_101 = vector.shape_cast %get3A_100 : vector<16xf32> to vector<16xf32>
          %bitcast_convert_type3A = tpu.bitcast %get3A_101 : vector<16xf32> -> vector<16xi32>
          %lt3A_102 = arith.cmpi slt, %bitcast_convert_type3A, %or3A : vector<16xi32>
          %jit3A_103 = arith.constant 1 : i32
          %jit3A_104 = arith.constant 0 : i32
          %broadcast_in_dim3A_105 = vector.broadcast %jit3A_103 : i32 to vector<16xi32>
          %broadcast_in_dim3A_106 = vector.broadcast %jit3A_104 : i32 to vector<16xi32>
          %select_n3A_107 = arith.select %lt3A_102, %broadcast_in_dim3A_105, %broadcast_in_dim3A_106 : vector<16xi1>, vector<16xi32>
          %add3A_108 = arith.addi %scan3A_96, %select_n3A_107 : vector<16xi32>
          %scan3A_109 = arith.constant 1 : i32
          %scan3A_110 = arith.addi %scan3A_95, %scan3A_109 : i32
          %mul3A_111 = arith.constant 16 : i32
          %mul3A_112 = arith.muli %scan3A_110, %mul3A_111 : i32
          %get3A_113 = arith.index_cast %mul3A_112 : i32 to index
          %get3A_114 = tpu.vector_load %arg10[%get3A_113] {strides = array<i32>} : memref<32768xf32, #tpu.memory_space<vmem>>, vector<16xf32>,
          %get3A_115 = vector.shape_cast %get3A_114 : vector<16xf32> to vector<16xf32>
          %bitcast_convert_type3A_116 = tpu.bitcast %get3A_115 : vector<16xf32> -> vector<16xi32>
          %lt3A_117 = arith.cmpi slt, %bitcast_convert_type3A_116, %or3A : vector<16xi32>
          %jit3A_118 = arith.constant 1 : i32
          %jit3A_119 = arith.constant 0 : i32
          %broadcast_in_dim3A_120 = vector.broadcast %jit3A_118 : i32 to vector<16xi32>
          %broadcast_in_dim3A_121 = vector.broadcast %jit3A_119 : i32 to vector<16xi32>
          %select_n3A_122 = arith.select %lt3A_117, %broadcast_in_dim3A_120, %broadcast_in_dim3A_121 : vector<16xi1>, vector<16xi32>
          %add3A_123 = arith.addi %add3A_108, %select_n3A_122 : vector<16xi32>
          %scan3A_124 = arith.constant 2 : i32
          %scan3A_125 = arith.addi %scan3A_95, %scan3A_124 : i32
          %mul3A_126 = arith.constant 16 : i32
          %mul3A_127 = arith.muli %scan3A_125, %mul3A_126 : i32
          %get3A_128 = arith.index_cast %mul3A_127 : i32 to index
          %get3A_129 = tpu.vector_load %arg10[%get3A_128] {strides = array<i32>} : memref<32768xf32, #tpu.memory_space<vmem>>, vector<16xf32>,
          %get3A_130 = vector.shape_cast %get3A_129 : vector<16xf32> to vector<16xf32>
          %bitcast_convert_type3A_131 = tpu.bitcast %get3A_130 : vector<16xf32> -> vector<16xi32>
          %lt3A_132 = arith.cmpi slt, %bitcast_convert_type3A_131, %or3A : vector<16xi32>
          %jit3A_133 = arith.constant 1 : i32
          %jit3A_134 = arith.constant 0 : i32
          %broadcast_in_dim3A_135 = vector.broadcast %jit3A_133 : i32 to vector<16xi32>
          %broadcast_in_dim3A_136 = vector.broadcast %jit3A_134 : i32 to vector<16xi32>
          %select_n3A_137 = arith.select %lt3A_132, %broadcast_in_dim3A_135, %broadcast_in_dim3A_136 : vector<16xi1>, vector<16xi32>
          %add3A_138 = arith.addi %add3A_123, %select_n3A_137 : vector<16xi32>
          %scan3A_139 = arith.constant 3 : i32
          %scan3A_140 = arith.addi %scan3A_95, %scan3A_139 : i32
          %mul3A_141 = arith.constant 16 : i32
          %mul3A_142 = arith.muli %scan3A_140, %mul3A_141 : i32
          %get3A_143 = arith.index_cast %mul3A_142 : i32 to index
          %get3A_144 = tpu.vector_load %arg10[%get3A_143] {strides = array<i32>} : memref<32768xf32, #tpu.memory_space<vmem>>, vector<16xf32>,
          %get3A_145 = vector.shape_cast %get3A_144 : vector<16xf32> to vector<16xf32>
          %bitcast_convert_type3A_146 = tpu.bitcast %get3A_145 : vector<16xf32> -> vector<16xi32>
          %lt3A_147 = arith.cmpi slt, %bitcast_convert_type3A_146, %or3A : vector<16xi32>
          %jit3A_148 = arith.constant 1 : i32
          %jit3A_149 = arith.constant 0 : i32
          %broadcast_in_dim3A_150 = vector.broadcast %jit3A_148 : i32 to vector<16xi32>
          %broadcast_in_dim3A_151 = vector.broadcast %jit3A_149 : i32 to vector<16xi32>
          %select_n3A_152 = arith.select %lt3A_147, %broadcast_in_dim3A_150, %broadcast_in_dim3A_151 : vector<16xi1>, vector<16xi32>
          %add3A_153 = arith.addi %add3A_138, %select_n3A_152 : vector<16xi32>
          %scan3A_154 = arith.constant 4 : i32
          %scan3A_155 = arith.addi %scan3A_95, %scan3A_154 : i32
          %mul3A_156 = arith.constant 16 : i32
          %mul3A_157 = arith.muli %scan3A_155, %mul3A_156 : i32
          %get3A_158 = arith.index_cast %mul3A_157 : i32 to index
          %get3A_159 = tpu.vector_load %arg10[%get3A_158] {strides = array<i32>} : memref<32768xf32, #tpu.memory_space<vmem>>, vector<16xf32>,
          %get3A_160 = vector.shape_cast %get3A_159 : vector<16xf32> to vector<16xf32>
          %bitcast_convert_type3A_161 = tpu.bitcast %get3A_160 : vector<16xf32> -> vector<16xi32>
          %lt3A_162 = arith.cmpi slt, %bitcast_convert_type3A_161, %or3A : vector<16xi32>
          %jit3A_163 = arith.constant 1 : i32
          %jit3A_164 = arith.constant 0 : i32
          %broadcast_in_dim3A_165 = vector.broadcast %jit3A_163 : i32 to vector<16xi32>
          %broadcast_in_dim3A_166 = vector.broadcast %jit3A_164 : i32 to vector<16xi32>
          %select_n3A_167 = arith.select %lt3A_162, %broadcast_in_dim3A_165, %broadcast_in_dim3A_166 : vector<16xi1>, vector<16xi32>
          %add3A_168 = arith.addi %add3A_153, %select_n3A_167 : vector<16xi32>
          %scan3A_169 = arith.constant 5 : i32
          %scan3A_170 = arith.addi %scan3A_95, %scan3A_169 : i32
          %mul3A_171 = arith.constant 16 : i32
          %mul3A_172 = arith.muli %scan3A_170, %mul3A_171 : i32
          %get3A_173 = arith.index_cast %mul3A_172 : i32 to index
          %get3A_174 = tpu.vector_load %arg10[%get3A_173] {strides = array<i32>} : memref<32768xf32, #tpu.memory_space<vmem>>, vector<16xf32>,
          %get3A_175 = vector.shape_cast %get3A_174 : vector<16xf32> to vector<16xf32>
          %bitcast_convert_type3A_176 = tpu.bitcast %get3A_175 : vector<16xf32> -> vector<16xi32>
          %lt3A_177 = arith.cmpi slt, %bitcast_convert_type3A_176, %or3A : vector<16xi32>
          %jit3A_178 = arith.constant 1 : i32
          %jit3A_179 = arith.constant 0 : i32
          %broadcast_in_dim3A_180 = vector.broadcast %jit3A_178 : i32 to vector<16xi32>
          %broadcast_in_dim3A_181 = vector.broadcast %jit3A_179 : i32 to vector<16xi32>
          %select_n3A_182 = arith.select %lt3A_177, %broadcast_in_dim3A_180, %broadcast_in_dim3A_181 : vector<16xi1>, vector<16xi32>
          %add3A_183 = arith.addi %add3A_168, %select_n3A_182 : vector<16xi32>
          %scan3A_184 = arith.constant 6 : i32
          %scan3A_185 = arith.addi %scan3A_95, %scan3A_184 : i32
          %mul3A_186 = arith.constant 16 : i32
          %mul3A_187 = arith.muli %scan3A_185, %mul3A_186 : i32
          %get3A_188 = arith.index_cast %mul3A_187 : i32 to index
          %get3A_189 = tpu.vector_load %arg10[%get3A_188] {strides = array<i32>} : memref<32768xf32, #tpu.memory_space<vmem>>, vector<16xf32>,
          %get3A_190 = vector.shape_cast %get3A_189 : vector<16xf32> to vector<16xf32>
          %bitcast_convert_type3A_191 = tpu.bitcast %get3A_190 : vector<16xf32> -> vector<16xi32>
          %lt3A_192 = arith.cmpi slt, %bitcast_convert_type3A_191, %or3A : vector<16xi32>
          %jit3A_193 = arith.constant 1 : i32
          %jit3A_194 = arith.constant 0 : i32
          %broadcast_in_dim3A_195 = vector.broadcast %jit3A_193 : i32 to vector<16xi32>
          %broadcast_in_dim3A_196 = vector.broadcast %jit3A_194 : i32 to vector<16xi32>
          %select_n3A_197 = arith.select %lt3A_192, %broadcast_in_dim3A_195, %broadcast_in_dim3A_196 : vector<16xi1>, vector<16xi32>
          %add3A_198 = arith.addi %add3A_183, %select_n3A_197 : vector<16xi32>
          %scan3A_199 = arith.constant 7 : i32
          %scan3A_200 = arith.addi %scan3A_95, %scan3A_199 : i32
          %mul3A_201 = arith.constant 16 : i32
          %mul3A_202 = arith.muli %scan3A_200, %mul3A_201 : i32
          %get3A_203 = arith.index_cast %mul3A_202 : i32 to index
          %get3A_204 = tpu.vector_load %arg10[%get3A_203] {strides = array<i32>} : memref<32768xf32, #tpu.memory_space<vmem>>, vector<16xf32>,
          %get3A_205 = vector.shape_cast %get3A_204 : vector<16xf32> to vector<16xf32>
          %bitcast_convert_type3A_206 = tpu.bitcast %get3A_205 : vector<16xf32> -> vector<16xi32>
          %lt3A_207 = arith.cmpi slt, %bitcast_convert_type3A_206, %or3A : vector<16xi32>
          %jit3A_208 = arith.constant 1 : i32
          %jit3A_209 = arith.constant 0 : i32
          %broadcast_in_dim3A_210 = vector.broadcast %jit3A_208 : i32 to vector<16xi32>
          %broadcast_in_dim3A_211 = vector.broadcast %jit3A_209 : i32 to vector<16xi32>
          %select_n3A_212 = arith.select %lt3A_207, %broadcast_in_dim3A_210, %broadcast_in_dim3A_211 : vector<16xi1>, vector<16xi32>
          %add3A_213 = arith.addi %add3A_198, %select_n3A_212 : vector<16xi32>
          scf.yield %add3A_213 : vector<16xi32>
        }
        %scan3A_90 = arith.constant 2048 : i32
        %lt3A_91 = arith.constant 32 : i32
        %lt3A_92 = vector.broadcast %lt3A_91 : i32 to vector<16xi32>
        %lt3A_93 = arith.cmpi slt, %scan3A_89, %lt3A_92 : vector<16xi32>
        %select_n3A_94 = arith.select %lt3A_93, %or3A, %scan3A_78 : vector<16xi1>, vector<16xi32>
        scf.yield %select_n3A_94 : vector<16xi32>
      }
      %scan3A_62 = arith.constant 17 : i32
      %mul3A_63 = arith.constant 16 : i32
      %mul3A_64 = arith.muli %scan3A_38, %mul3A_63 : i32
      %swap3A = arith.index_cast %mul3A_64 : i32 to index
      %swap3A_65 = tpu.vector_load %arg11[%swap3A] {strides = array<i32>} : memref<512xi32, #tpu.memory_space<vmem>>, vector<16xi32>,
      %swap3A_66 = vector.shape_cast %swap3A_65 : vector<16xi32> to vector<16xi32>
      %swap3A_67 = vector.shape_cast %scan3A_61 : vector<16xi32> to vector<16xi32>
      tpu.vector_store %arg11[%swap3A], %swap3A_67 {strides = array<i32>} : memref<512xi32, #tpu.memory_space<vmem>>, vector<16xi32>,
      %add3A_68 = arith.constant 16384 : i32
      %add3A_69 = vector.broadcast %add3A_68 : i32 to vector<16xi32>
      %add3A_70 = arith.addi %scan3A_61, %add3A_69 : vector<16xi32>
      %mul3A_71 = arith.constant 16 : i32
      %mul3A_72 = arith.muli %scan3A_38, %mul3A_71 : i32
      %swap3A_73 = arith.index_cast %mul3A_72 : i32 to index
      %swap3A_74 = tpu.vector_load %arg12[%swap3A_73] {strides = array<i32>} : memref<512xi32, #tpu.memory_space<vmem>>, vector<16xi32>,
      %swap3A_75 = vector.shape_cast %swap3A_74 : vector<16xi32> to vector<16xi32>
      %swap3A_76 = vector.shape_cast %add3A_70 : vector<16xi32> to vector<16xi32>
      tpu.vector_store %arg12[%swap3A_73], %swap3A_76 {strides = array<i32>} : memref<512xi32, #tpu.memory_space<vmem>>, vector<16xi32>,
    }
    %scan3A_37 = arith.constant 32 : i32
    "tpu.region"() ({
      %run_scoped3A = tpu.sem_alloc : memref<!tpu.dma_semaphore, #tpu.memory_space<semaphore_mem>>
      %dma_start3A = arith.constant 0 : i32
      %dma_start3A_38 = tpu.memref_slice %arg5[%add3A, %dma_start3A] : memref<32x512xi32, #tpu.memory_space<hbm>> -> memref<1x512xi32, #tpu.memory_space<hbm>>
      %dma_start3A_39 = tpu.memref_squeeze %dma_start3A_38 : memref<1x512xi32, #tpu.memory_space<hbm>> -> memref<512xi32, #tpu.memory_space<hbm>>
      %dma_start3A_40 = arith.constant 0 : i32
      %dma_start3A_41 = tpu.memref_slice %arg5[%add3A, %dma_start3A_40] : memref<32x512xi32, #tpu.memory_space<hbm>> -> memref<1x512xi32, #tpu.memory_space<hbm>>
      %dma_start3A_42 = tpu.memref_squeeze %dma_start3A_41 : memref<1x512xi32, #tpu.memory_space<hbm>> -> memref<512xi32, #tpu.memory_space<hbm>>
      tpu.enqueue_dma source(%arg11 : memref<512xi32, #tpu.memory_space<vmem>>) target(%dma_start3A_42 : memref<512xi32, #tpu.memory_space<hbm>>) target_semaphore(%run_scoped3A : memref<!tpu.dma_semaphore, #tpu.memory_space<semaphore_mem>>)
      %dma_wait3A = arith.constant 0 : i32
      %dma_wait3A_43 = tpu.memref_slice %arg5[%add3A, %dma_wait3A] : memref<32x512xi32, #tpu.memory_space<hbm>> -> memref<1x512xi32, #tpu.memory_space<hbm>>
      %dma_wait3A_44 = tpu.memref_squeeze %dma_wait3A_43 : memref<1x512xi32, #tpu.memory_space<hbm>> -> memref<512xi32, #tpu.memory_space<hbm>>
      %dma_wait3A_45 = arith.constant 0 : i32
      %dma_wait3A_46 = tpu.memref_slice %arg5[%add3A, %dma_wait3A_45] : memref<32x512xi32, #tpu.memory_space<hbm>> -> memref<1x512xi32, #tpu.memory_space<hbm>>
      %dma_wait3A_47 = tpu.memref_squeeze %dma_wait3A_46 : memref<1x512xi32, #tpu.memory_space<hbm>> -> memref<512xi32, #tpu.memory_space<hbm>>
      tpu.wait_dma2 semaphore(%run_scoped3A : memref<!tpu.dma_semaphore, #tpu.memory_space<semaphore_mem>>) src(%arg11 : memref<512xi32, #tpu.memory_space<vmem>>) dst(%dma_wait3A_47 : memref<512xi32, #tpu.memory_space<hbm>>)
      tpu.yield
    }) : () -> ()
    "tpu.region"() ({
      %run_scoped3A = tpu.sem_alloc : memref<!tpu.dma_semaphore, #tpu.memory_space<semaphore_mem>>
      %dma_start3A = arith.constant 0 : i32
      %dma_start3A_38 = tpu.memref_slice %arg6[%add3A, %dma_start3A] : memref<32x512xi32, #tpu.memory_space<hbm>> -> memref<1x512xi32, #tpu.memory_space<hbm>>
      %dma_start3A_39 = tpu.memref_squeeze %dma_start3A_38 : memref<1x512xi32, #tpu.memory_space<hbm>> -> memref<512xi32, #tpu.memory_space<hbm>>
      %dma_start3A_40 = arith.constant 0 : i32
      %dma_start3A_41 = tpu.memref_slice %arg6[%add3A, %dma_start3A_40] : memref<32x512xi32, #tpu.memory_space<hbm>> -> memref<1x512xi32, #tpu.memory_space<hbm>>
      %dma_start3A_42 = tpu.memref_squeeze %dma_start3A_41 : memref<1x512xi32, #tpu.memory_space<hbm>> -> memref<512xi32, #tpu.memory_space<hbm>>
      tpu.enqueue_dma source(%arg12 : memref<512xi32, #tpu.memory_space<vmem>>) target(%dma_start3A_42 : memref<512xi32, #tpu.memory_space<hbm>>) target_semaphore(%run_scoped3A : memref<!tpu.dma_semaphore, #tpu.memory_space<semaphore_mem>>)
      %dma_wait3A = arith.constant 0 : i32
      %dma_wait3A_43 = tpu.memref_slice %arg6[%add3A, %dma_wait3A] : memref<32x512xi32, #tpu.memory_space<hbm>> -> memref<1x512xi32, #tpu.memory_space<hbm>>
      %dma_wait3A_44 = tpu.memref_squeeze %dma_wait3A_43 : memref<1x512xi32, #tpu.memory_space<hbm>> -> memref<512xi32, #tpu.memory_space<hbm>>
      %dma_wait3A_45 = arith.constant 0 : i32
      %dma_wait3A_46 = tpu.memref_slice %arg6[%add3A, %dma_wait3A_45] : memref<32x512xi32, #tpu.memory_space<hbm>> -> memref<1x512xi32, #tpu.memory_space<hbm>>
      %dma_wait3A_47 = tpu.memref_squeeze %dma_wait3A_46 : memref<1x512xi32, #tpu.memory_space<hbm>> -> memref<512xi32, #tpu.memory_space<hbm>>
      tpu.wait_dma2 semaphore(%run_scoped3A : memref<!tpu.dma_semaphore, #tpu.memory_space<semaphore_mem>>) src(%arg12 : memref<512xi32, #tpu.memory_space<vmem>>) dst(%dma_wait3A_47 : memref<512xi32, #tpu.memory_space<hbm>>)
      tpu.yield
    }) : () -> ()
    return
  }
}

module attributes {stable_mosaic.version = 14 : i64} {
  func.func @_mlp_body(%arg0: i32, %arg1: memref<1x2048x8xf32, #tpu.memory_space<vmem>>, %arg2: memref<8x64xf32, #tpu.memory_space<vmem>>, %arg3: memref<1x64xf32, #tpu.memory_space<vmem>>, %arg4: memref<64x64xf32, #tpu.memory_space<vmem>>, %arg5: memref<1x64xf32, #tpu.memory_space<vmem>>, %arg6: memref<64x128xf32, #tpu.memory_space<vmem>>, %arg7: memref<1x128xf32, #tpu.memory_space<vmem>>, %arg8: memref<1x2048x128xf32, #tpu.memory_space<vmem>>) attributes {dimension_semantics = [#tpu.dimension_semantics<arbitrary>], iteration_bounds = array<i64: 8>, scalar_prefetch = 0 : i64, scratch_operands = 0 : i64, tpu.core_type = #tpu.core_type<tc>, window_params = [{transform_indices = @transform_0, window_bounds = array<i64: 1, 2048, 8>}, {pipeline_mode = #tpu.pipeline_mode<synchronous>, transform_indices = @transform_1, window_bounds = array<i64: 8, 64>}, {pipeline_mode = #tpu.pipeline_mode<synchronous>, transform_indices = @transform_2, window_bounds = array<i64: 1, 64>}, {pipeline_mode = #tpu.pipeline_mode<synchronous>, transform_indices = @transform_3, window_bounds = array<i64: 64, 64>}, {pipeline_mode = #tpu.pipeline_mode<synchronous>, transform_indices = @transform_4, window_bounds = array<i64: 1, 64>}, {pipeline_mode = #tpu.pipeline_mode<synchronous>, transform_indices = @transform_5, window_bounds = array<i64: 64, 128>}, {pipeline_mode = #tpu.pipeline_mode<synchronous>, transform_indices = @transform_6, window_bounds = array<i64: 1, 128>}, {transform_indices = @transform_7, window_bounds = array<i64: 1, 2048, 128>}]} {
    %get3A = arith.constant 0 : index
    %get3A_0 = arith.constant 0 : index
    %get3A_1 = arith.constant 0 : index
    %get3A_2 = vector.load %arg1[%get3A, %get3A_0, %get3A_1] : memref<1x2048x8xf32, #tpu.memory_space<vmem>>, vector<1x2048x8xf32>
    %get3A_3 = vector.shape_cast %get3A_2 : vector<1x2048x8xf32> to vector<2048x8xf32>
    %get3A_4 = arith.constant 0 : index
    %get3A_5 = arith.constant 0 : index
    %get3A_6 = vector.load %arg2[%get3A_4, %get3A_5] : memref<8x64xf32, #tpu.memory_space<vmem>>, vector<8x64xf32>
    %dot_general3A = arith.constant dense<0.000000e+00> : vector<2048x64xf32>
    %dot_general3A_7 = tpu.matmul %get3A_3, %get3A_6, %dot_general3A {dimension_numbers = #tpu.dot_dimension_numbers<[1], [0], [0], [1], [0, 0, 1, 1], [], []>, transpose_lhs_hint = false} : vector<2048x8xf32>, vector<8x64xf32>, vector<2048x64xf32> -> vector<2048x64xf32>
    %get3A_8 = arith.constant 0 : index
    %get3A_9 = arith.constant 0 : index
    %get3A_10 = vector.load %arg3[%get3A_8, %get3A_9] : memref<1x64xf32, #tpu.memory_space<vmem>>, vector<1x64xf32>
    %add3A = vector.broadcast %get3A_10 : vector<1x64xf32> to vector<2048x64xf32>
    %add3A_11 = arith.addf %dot_general3A_7, %add3A : vector<2048x64xf32>
    %max3A = arith.constant 0.000000e+00 : f32
    %max3A_12 = vector.broadcast %max3A : f32 to vector<2048x64xf32>
    %max3A_13 = arith.maximumf %add3A_11, %max3A_12 : vector<2048x64xf32>
    %get3A_14 = arith.constant 0 : index
    %get3A_15 = arith.constant 0 : index
    %get3A_16 = vector.load %arg4[%get3A_14, %get3A_15] : memref<64x64xf32, #tpu.memory_space<vmem>>, vector<64x64xf32>
    %dot_general3A_17 = arith.constant dense<0.000000e+00> : vector<2048x64xf32>
    %dot_general3A_18 = tpu.matmul %max3A_13, %get3A_16, %dot_general3A_17 {dimension_numbers = #tpu.dot_dimension_numbers<[1], [0], [0], [1], [0, 0, 1, 1], [], []>, transpose_lhs_hint = false} : vector<2048x64xf32>, vector<64x64xf32>, vector<2048x64xf32> -> vector<2048x64xf32>
    %get3A_19 = arith.constant 0 : index
    %get3A_20 = arith.constant 0 : index
    %get3A_21 = vector.load %arg5[%get3A_19, %get3A_20] : memref<1x64xf32, #tpu.memory_space<vmem>>, vector<1x64xf32>
    %add3A_22 = vector.broadcast %get3A_21 : vector<1x64xf32> to vector<2048x64xf32>
    %add3A_23 = arith.addf %dot_general3A_18, %add3A_22 : vector<2048x64xf32>
    %max3A_24 = arith.constant 0.000000e+00 : f32
    %max3A_25 = vector.broadcast %max3A_24 : f32 to vector<2048x64xf32>
    %max3A_26 = arith.maximumf %add3A_23, %max3A_25 : vector<2048x64xf32>
    %get3A_27 = arith.constant 0 : index
    %get3A_28 = arith.constant 0 : index
    %get3A_29 = vector.load %arg6[%get3A_27, %get3A_28] : memref<64x128xf32, #tpu.memory_space<vmem>>, vector<64x128xf32>
    %dot_general3A_30 = arith.constant dense<0.000000e+00> : vector<2048x128xf32>
    %dot_general3A_31 = tpu.matmul %max3A_26, %get3A_29, %dot_general3A_30 {dimension_numbers = #tpu.dot_dimension_numbers<[1], [0], [0], [1], [0, 0, 1, 1], [], []>, transpose_lhs_hint = false} : vector<2048x64xf32>, vector<64x128xf32>, vector<2048x128xf32> -> vector<2048x128xf32>
    %get3A_32 = arith.constant 0 : index
    %get3A_33 = arith.constant 0 : index
    %get3A_34 = vector.load %arg7[%get3A_32, %get3A_33] : memref<1x128xf32, #tpu.memory_space<vmem>>, vector<1x128xf32>
    %add3A_35 = vector.broadcast %get3A_34 : vector<1x128xf32> to vector<2048x128xf32>
    %add3A_36 = arith.addf %dot_general3A_31, %add3A_35 : vector<2048x128xf32>
    %max3A_37 = arith.constant 0.000000e+00 : f32
    %max3A_38 = vector.broadcast %max3A_37 : f32 to vector<2048x128xf32>
    %max3A_39 = arith.maximumf %add3A_36, %max3A_38 : vector<2048x128xf32>
    %swap3A = arith.constant 0 : index
    %swap3A_40 = arith.constant 0 : index
    %swap3A_41 = arith.constant 0 : index
    %swap3A_42 = vector.load %arg8[%swap3A, %swap3A_40, %swap3A_41] : memref<1x2048x128xf32, #tpu.memory_space<vmem>>, vector<1x2048x128xf32>
    %swap3A_43 = vector.shape_cast %swap3A_42 : vector<1x2048x128xf32> to vector<2048x128xf32>
    %swap3A_44 = vector.shape_cast %max3A_39 : vector<2048x128xf32> to vector<1x2048x128xf32>
    tpu.vector_store %arg8[%swap3A, %swap3A_40, %swap3A_41], %swap3A_44 {strides = array<i32>} : memref<1x2048x128xf32, #tpu.memory_space<vmem>>, vector<1x2048x128xf32>,
    return
  }
  func.func @transform_0(%arg0: i32) -> (i32, i32, i32) {
    %c0_i32 = arith.constant 0 : i32
    %c0_i32_0 = arith.constant 0 : i32
    %c0_i32_1 = arith.constant 0 : i32
    return %arg0, %c0_i32, %c0_i32_0 : i32, i32, i32
  }
  func.func @transform_1(%arg0: i32) -> (i32, i32) {
    %c0_i32 = arith.constant 0 : i32
    %c0_i32_0 = arith.constant 0 : i32
    %c0_i32_1 = arith.constant 0 : i32
    return %c0_i32, %c0_i32_0 : i32, i32
  }
  func.func @transform_2(%arg0: i32) -> (i32, i32) {
    %c0_i32 = arith.constant 0 : i32
    %c0_i32_0 = arith.constant 0 : i32
    %c0_i32_1 = arith.constant 0 : i32
    return %c0_i32, %c0_i32_0 : i32, i32
  }
  func.func @transform_3(%arg0: i32) -> (i32, i32) {
    %c0_i32 = arith.constant 0 : i32
    %c0_i32_0 = arith.constant 0 : i32
    %c0_i32_1 = arith.constant 0 : i32
    return %c0_i32, %c0_i32_0 : i32, i32
  }
  func.func @transform_4(%arg0: i32) -> (i32, i32) {
    %c0_i32 = arith.constant 0 : i32
    %c0_i32_0 = arith.constant 0 : i32
    %c0_i32_1 = arith.constant 0 : i32
    return %c0_i32, %c0_i32_0 : i32, i32
  }
  func.func @transform_5(%arg0: i32) -> (i32, i32) {
    %c0_i32 = arith.constant 0 : i32
    %c0_i32_0 = arith.constant 0 : i32
    %c0_i32_1 = arith.constant 0 : i32
    return %c0_i32, %c0_i32_0 : i32, i32
  }
  func.func @transform_6(%arg0: i32) -> (i32, i32) {
    %c0_i32 = arith.constant 0 : i32
    %c0_i32_0 = arith.constant 0 : i32
    %c0_i32_1 = arith.constant 0 : i32
    return %c0_i32, %c0_i32_0 : i32, i32
  }
  func.func @transform_7(%arg0: i32) -> (i32, i32, i32) {
    %c0_i32 = arith.constant 0 : i32
    %c0_i32_0 = arith.constant 0 : i32
    %c0_i32_1 = arith.constant 0 : i32
    return %arg0, %c0_i32, %c0_i32_0 : i32, i32, i32
  }
}

module attributes {stable_mosaic.version = 14 : i64} {
  func.func @_pool_body(%arg0: i32, %arg1: i32, %arg2: memref<1x256x8xf32, #tpu.memory_space<vmem>>, %arg3: memref<1x8x2048xf32, #tpu.memory_space<vmem>>, %arg4: memref<1x256x8xf32, #tpu.memory_space<vmem>>, %arg5: memref<1x2048x128xf32, #tpu.memory_space<vmem>>, %arg6: memref<1x256x128xf32, #tpu.memory_space<vmem>>) attributes {dimension_semantics = [#tpu.dimension_semantics<arbitrary>, #tpu.dimension_semantics<arbitrary>], iteration_bounds = array<i64: 8, 8>, scalar_prefetch = 0 : i64, scratch_operands = 0 : i64, tpu.core_type = #tpu.core_type<tc>, window_params = [{transform_indices = @transform_0, window_bounds = array<i64: 1, 256, 8>}, {transform_indices = @transform_1, window_bounds = array<i64: 1, 8, 2048>}, {transform_indices = @transform_2, window_bounds = array<i64: 1, 256, 8>}, {transform_indices = @transform_3, window_bounds = array<i64: 1, 2048, 128>}, {transform_indices = @transform_4, window_bounds = array<i64: 1, 256, 128>}]} {
    %get3A = arith.constant 0 : index
    %get3A_0 = arith.constant 0 : index
    %get3A_1 = arith.constant 0 : index
    %get3A_2 = vector.load %arg2[%get3A, %get3A_0, %get3A_1] : memref<1x256x8xf32, #tpu.memory_space<vmem>>, vector<1x256x8xf32>
    %get3A_3 = vector.shape_cast %get3A_2 : vector<1x256x8xf32> to vector<256x8xf32>
    %get3A_4 = arith.constant 0 : index
    %get3A_5 = arith.constant 0 : index
    %get3A_6 = arith.constant 0 : index
    %get3A_7 = vector.load %arg3[%get3A_4, %get3A_5, %get3A_6] : memref<1x8x2048xf32, #tpu.memory_space<vmem>>, vector<1x8x2048xf32>
    %get3A_8 = vector.shape_cast %get3A_7 : vector<1x8x2048xf32> to vector<8x2048xf32>
    %slice3A = vector.extract_strided_slice %get3A_3 {offsets = [0, 0], sizes = [256, 1], strides = [1, 1]} : vector<256x8xf32> to vector<256x1xf32>
    %slice3A_9 = vector.extract_strided_slice %get3A_8 {offsets = [0, 0], sizes = [1, 2048], strides = [1, 1]} : vector<8x2048xf32> to vector<1x2048xf32>
    %sub3A = vector.broadcast %slice3A : vector<256x1xf32> to vector<256x2048xf32>
    %sub3A_10 = vector.broadcast %slice3A_9 : vector<1x2048xf32> to vector<256x2048xf32>
    %sub3A_11 = arith.subf %sub3A, %sub3A_10 : vector<256x2048xf32>
    %mul3A = arith.mulf %sub3A_11, %sub3A_11 : vector<256x2048xf32>
    %slice3A_12 = vector.extract_strided_slice %get3A_3 {offsets = [0, 1], sizes = [256, 1], strides = [1, 1]} : vector<256x8xf32> to vector<256x1xf32>
    %slice3A_13 = vector.extract_strided_slice %get3A_8 {offsets = [1, 0], sizes = [1, 2048], strides = [1, 1]} : vector<8x2048xf32> to vector<1x2048xf32>
    %sub3A_14 = vector.broadcast %slice3A_12 : vector<256x1xf32> to vector<256x2048xf32>
    %sub3A_15 = vector.broadcast %slice3A_13 : vector<1x2048xf32> to vector<256x2048xf32>
    %sub3A_16 = arith.subf %sub3A_14, %sub3A_15 : vector<256x2048xf32>
    %mul3A_17 = arith.mulf %sub3A_16, %sub3A_16 : vector<256x2048xf32>
    %add3A = arith.addf %mul3A, %mul3A_17 : vector<256x2048xf32>
    %slice3A_18 = vector.extract_strided_slice %get3A_3 {offsets = [0, 2], sizes = [256, 1], strides = [1, 1]} : vector<256x8xf32> to vector<256x1xf32>
    %slice3A_19 = vector.extract_strided_slice %get3A_8 {offsets = [2, 0], sizes = [1, 2048], strides = [1, 1]} : vector<8x2048xf32> to vector<1x2048xf32>
    %sub3A_20 = vector.broadcast %slice3A_18 : vector<256x1xf32> to vector<256x2048xf32>
    %sub3A_21 = vector.broadcast %slice3A_19 : vector<1x2048xf32> to vector<256x2048xf32>
    %sub3A_22 = arith.subf %sub3A_20, %sub3A_21 : vector<256x2048xf32>
    %mul3A_23 = arith.mulf %sub3A_22, %sub3A_22 : vector<256x2048xf32>
    %add3A_24 = arith.addf %add3A, %mul3A_23 : vector<256x2048xf32>
    %get3A_25 = arith.constant 0 : index
    %get3A_26 = arith.constant 0 : index
    %get3A_27 = arith.constant 0 : index
    %get3A_28 = vector.load %arg4[%get3A_25, %get3A_26, %get3A_27] : memref<1x256x8xf32, #tpu.memory_space<vmem>>, vector<1x256x8xf32>
    %get3A_29 = vector.shape_cast %get3A_28 : vector<1x256x8xf32> to vector<256x8xf32>
    %slice3A_30 = vector.extract_strided_slice %get3A_29 {offsets = [0, 0], sizes = [256, 1], strides = [1, 1]} : vector<256x8xf32> to vector<256x1xf32>
    %get3A_31 = arith.constant 0 : index
    %get3A_32 = arith.constant 0 : index
    %get3A_33 = arith.constant 0 : index
    %get3A_34 = vector.load %arg4[%get3A_31, %get3A_32, %get3A_33] : memref<1x256x8xf32, #tpu.memory_space<vmem>>, vector<1x256x8xf32>
    %get3A_35 = vector.shape_cast %get3A_34 : vector<1x256x8xf32> to vector<256x8xf32>
    %slice3A_36 = vector.extract_strided_slice %get3A_35 {offsets = [0, 1], sizes = [256, 1], strides = [1, 1]} : vector<256x8xf32> to vector<256x1xf32>
    %lt3A = vector.broadcast %slice3A_30 : vector<256x1xf32> to vector<256x2048xf32>
    %lt3A_37 = arith.cmpf olt, %add3A_24, %lt3A : vector<256x2048xf32>
    %jit3A = arith.constant 1.000000e+00 : f32
    %jit3A_38 = arith.constant 0.000000e+00 : f32
    %broadcast_in_dim3A = vector.broadcast %jit3A : f32 to vector<256x2048xf32>
    %broadcast_in_dim3A_39 = vector.broadcast %jit3A_38 : f32 to vector<256x2048xf32>
    %select_n3A = arith.select %lt3A_37, %broadcast_in_dim3A, %broadcast_in_dim3A_39 : vector<256x2048xi1>, vector<256x2048xf32>
    %lt3A_40 = vector.broadcast %slice3A_36 : vector<256x1xf32> to vector<256x2048xf32>
    %lt3A_41 = arith.cmpf olt, %add3A_24, %lt3A_40 : vector<256x2048xf32>
    %jit3A_42 = arith.constant 1.000000e+00 : f32
    %jit3A_43 = arith.constant 0.000000e+00 : f32
    %broadcast_in_dim3A_44 = vector.broadcast %jit3A_42 : f32 to vector<256x2048xf32>
    %broadcast_in_dim3A_45 = vector.broadcast %jit3A_43 : f32 to vector<256x2048xf32>
    %select_n3A_46 = arith.select %lt3A_41, %broadcast_in_dim3A_44, %broadcast_in_dim3A_45 : vector<256x2048xi1>, vector<256x2048xf32>
    %sub3A_47 = arith.subf %select_n3A_46, %select_n3A : vector<256x2048xf32>
    %reduce_sum3A = arith.constant dense<0.000000e+00> : vector<256xf32>
    %reduce_sum3A_48 = vector.multi_reduction <add>, %select_n3A, %reduce_sum3A [1] : vector<256x2048xf32> to vector<256xf32>
    %broadcast_in_dim3A_49 = vector.shape_cast %reduce_sum3A_48 : vector<256xf32> to vector<256x1xf32>
    %reduce_sum3A_50 = arith.constant dense<0.000000e+00> : vector<256xf32>
    %reduce_sum3A_51 = vector.multi_reduction <add>, %sub3A_47, %reduce_sum3A_50 [1] : vector<256x2048xf32> to vector<256xf32>
    %broadcast_in_dim3A_52 = vector.shape_cast %reduce_sum3A_51 : vector<256xf32> to vector<256x1xf32>
    %sub3A_53 = arith.constant 3.200000e+01 : f32
    %sub3A_54 = vector.broadcast %sub3A_53 : f32 to vector<256x1xf32>
    %sub3A_55 = arith.subf %sub3A_54, %broadcast_in_dim3A_49 : vector<256x1xf32>
    %max3A = arith.constant 1.000000e+00 : f32
    %max3A_56 = vector.broadcast %max3A : f32 to vector<256x1xf32>
    %max3A_57 = arith.maximumf %broadcast_in_dim3A_52, %max3A_56 : vector<256x1xf32>
    %div3A = arith.divf %sub3A_55, %max3A_57 : vector<256x1xf32>
    %mul3A_58 = vector.broadcast %div3A : vector<256x1xf32> to vector<256x2048xf32>
    %mul3A_59 = arith.mulf %sub3A_47, %mul3A_58 : vector<256x2048xf32>
    %add3A_60 = arith.addf %select_n3A, %mul3A_59 : vector<256x2048xf32>
    %get3A_61 = arith.constant 0 : index
    %get3A_62 = arith.constant 0 : index
    %get3A_63 = arith.constant 0 : index
    %get3A_64 = vector.load %arg5[%get3A_61, %get3A_62, %get3A_63] : memref<1x2048x128xf32, #tpu.memory_space<vmem>>, vector<1x2048x128xf32>
    %get3A_65 = vector.shape_cast %get3A_64 : vector<1x2048x128xf32> to vector<2048x128xf32>
    %dot_general3A = arith.constant dense<0.000000e+00> : vector<256x128xf32>
    %dot_general3A_66 = tpu.matmul %add3A_60, %get3A_65, %dot_general3A {dimension_numbers = #tpu.dot_dimension_numbers<[1], [0], [0], [1], [0, 0, 1, 1], [], []>, transpose_lhs_hint = false} : vector<256x2048xf32>, vector<2048x128xf32>, vector<256x128xf32> -> vector<256x128xf32>
    %mul3A_67 = arith.constant 3.125000e-02 : f32
    %mul3A_68 = vector.broadcast %mul3A_67 : f32 to vector<256x128xf32>
    %mul3A_69 = arith.mulf %dot_general3A_66, %mul3A_68 : vector<256x128xf32>
    %swap3A = arith.constant 0 : index
    %swap3A_70 = arith.constant 0 : index
    %swap3A_71 = arith.constant 0 : index
    %swap3A_72 = vector.load %arg6[%swap3A, %swap3A_70, %swap3A_71] : memref<1x256x128xf32, #tpu.memory_space<vmem>>, vector<1x256x128xf32>
    %swap3A_73 = vector.shape_cast %swap3A_72 : vector<1x256x128xf32> to vector<256x128xf32>
    %swap3A_74 = vector.shape_cast %mul3A_69 : vector<256x128xf32> to vector<1x256x128xf32>
    tpu.vector_store %arg6[%swap3A, %swap3A_70, %swap3A_71], %swap3A_74 {strides = array<i32>} : memref<1x256x128xf32, #tpu.memory_space<vmem>>, vector<1x256x128xf32>,
    return
  }
  func.func @transform_0(%arg0: i32, %arg1: i32) -> (i32, i32, i32) {
    %c0_i32 = arith.constant 0 : i32
    %c0_i32_0 = arith.constant 0 : i32
    return %arg0, %arg1, %c0_i32 : i32, i32, i32
  }
  func.func @transform_1(%arg0: i32, %arg1: i32) -> (i32, i32, i32) {
    %c0_i32 = arith.constant 0 : i32
    %c0_i32_0 = arith.constant 0 : i32
    %c0_i32_1 = arith.constant 0 : i32
    return %arg0, %c0_i32, %c0_i32_0 : i32, i32, i32
  }
  func.func @transform_2(%arg0: i32, %arg1: i32) -> (i32, i32, i32) {
    %c0_i32 = arith.constant 0 : i32
    %c0_i32_0 = arith.constant 0 : i32
    return %arg0, %arg1, %c0_i32 : i32, i32, i32
  }
  func.func @transform_3(%arg0: i32, %arg1: i32) -> (i32, i32, i32) {
    %c0_i32 = arith.constant 0 : i32
    %c0_i32_0 = arith.constant 0 : i32
    %c0_i32_1 = arith.constant 0 : i32
    return %arg0, %c0_i32, %c0_i32_0 : i32, i32, i32
  }
  func.func @transform_4(%arg0: i32, %arg1: i32) -> (i32, i32, i32) {
    %c0_i32 = arith.constant 0 : i32
    %c0_i32_0 = arith.constant 0 : i32
    return %arg0, %arg1, %c0_i32 : i32, i32, i32
  }
}

</mosaic_0001>

<sc_bundles>
// kernel: kernel.5.cloned.1.call-start
scs
__scs_entry_jumppad:
0x0: {  	(pc) =	sbr.rel $0x88, $3  }
0x1: {  	(tag) =	ssettag $0x0;
	lr =	simm.s32 $0x1  }
0x2: {  	[smem:$0x3F9A] =	sst lr;
	_ =	strace $0xD0000000  }
0x3: {  	_ = 	snop  }
0x4: {  	_ = 	snop  }
0x5: {  	_ = 	snop  }
0x6: {  	_ = 	snop  }
0x7: {  	_ = 	snop  }
__scs_overlays_trampoline_lowered:
0x8: {  	[smem:$0x3FA9] =	sst s0  }
0x9: {  	[smem:$0x3FAA] =	sst s1  }
0xa: {  	[smem:$0x3FAB] =	sst s2  }
0xb: {  	[smem:$0x3FAC] =	sst s3  }
0xc: {  	[smem:$0x3FAD] =	sst s4  }
0xd: {  	[smem:$0x3FAE] =	sst s5  }
0xe: {  	[smem:$0x3FAF] =	sst s6  }
0xf: {  	[smem:$0x3FB0] =	sst s7  }
0x10: {  	[smem:$0x3FB1] =	sst s8  }
0x11: {  	[smem:$0x3FB2] =	sst s9;
	s0 =	simm.s32 @!p0 $0x0  }
0x12: {  	s1 =	sld [smem:$0x3F98];
	s0 =	simm.s32 @p0 $0x1  }
0x13: {  	[smem:$0x3FB3] =	sst s0;
	s0 =	simm.s32 @!p1 $0x0  }
0x14: {  	s2 =	sld [smem:$0x3F97];
	s0 =	simm.s32 @p1 $0x1  }
0x15: {  	[smem:$0x3FB4] =	sst s0;
	s0 =	simm.s32 @!p2 $0x0  }
0x16: {  	s3 =	sld [smem:$0x3FDB];
	s0 =	simm.s32 @p2 $0x1  }
0x17: {  	s4 =	simm.s32 $0x1BF5;
	[smem:$0x3FB6] =	sst s0  }
0x18: {  	s0 =	sld [smem:$0x3F99];
	_ =	swait.ge [sflag:s4], $0x0  }
0x19: {  	s7 =	sld [smem:$0x3F9A]  }
0x1a: {  	s8 =	sadd.s32 $0xFFFFE003, lr  }
0x1b: {  	s9 =	sadd.s32 $0xFFFFFEF7, lr;
	s5 =	simm.s32 $0xFFFFFFFF;
	p2 =	slt.u32 s8, $0xFFFFF086  }
0x1c: {  	p1 =	slt.u32 s9, $0xF7A;
	s5 =	simm.s32 @!p2 $0x0  }
0x1d: {  	s5 =	simm.s32 @p1 $0x1;
	p0 =	seq.s32 s7, s2  }
0x1e: {  	s7 =	smul.u32 @!p0 $0xF7A, s2;
	p2 =	seq.s32 @!p0 s5, $0x0  }
0x1f: {  	s9 =	smul.u32 $0xF7A, s1;
	s8 =	simm.s32 @!p0 $0x1BF5;
	p2 =	por !p2, p0  }
0x20: {  	[sflag:s8] =	ssyncset.s32 @!p0 $0xFFFFF086;
	s6 =	sadd.s32 @!p0 s3, s7;
	s7 =	simm.s32 @!p0 $0x108  }
0x21: {  	s3 =	sadd.s32 s3, s9;
	s6 =	sadd.s32 @!p0 $0x88, s6;
	s7 =	simm.s32 @p2 $0x1082  }
0x22: {  	[simem:s7], [sflag:s8] =	dma.local @!p0 [hbm:s6], $0xF7A  }
0x23: {  	s9 =	sor.u32 $0xD0000000, s2;
	s6 =	simm.s32 $0x108;
	_ =	swait.ge @!p0 [sflag:s8], $0x0  }
0x24: {  	s3 =	sadd.s32 $0x88, s3;
	s6 =	simm.s32 @!p1 $0x1082;
	[sflag:s4] =	ssyncset.s32 $0xFFFFF086  }
0x25: {  	[simem:s6], [sflag:s4] =	dma.local [hbm:s3], $0xF7A  }
0x26: {  	[smem:$0x3F9A] =	sst s1;
	(tag) =	ssettag s2;
	_ =	strace s9  }
0x27: {  	s1 =	sld [smem:$0x3FAA]  }
0x28: {  	s2 =	sld [smem:$0x3FAB]  }
0x29: {  	s4 =	sld [smem:$0x3FAD]  }
0x2a: {  	p0 =	seq.s32 s5, $0x0;
	s5 =	sld [smem:$0x3FAE]  }
0x2b: {  	s6 =	sld [smem:$0x3FAF]  }
0x2c: {  	s7 =	sld [smem:$0x3FB0]  }
0x2d: {  	s3 =	simm.s32 $0x108;
	s8 =	sld [smem:$0x3FB1]  }
0x2e: {  	s3 =	simm.s32 @!p0 $0x1082;
	s9 =	sld [smem:$0x3FB2]  }
0x2f: {  	lr =	sadd.s32 s0, s3;
	s0 =	sld [smem:$0x3FA9]  }
0x30: {  	s3 =	sld [smem:$0x3FAC]  }
0x31: {  	[smem:$0x3FB5] =	sst s10  }
0x32: {  	s10 =	sld [smem:$0x3FB3];
	_ =	sdelay $0x3  }
0x33: {  	p0 =	seq.s32 s10, $0x1;
	s10 =	sld [smem:$0x3FB5];
	_ =	sdelay $0x3  }
0x34: {  	[smem:$0x3FB5] =	sst s10  }
0x35: {  	s10 =	sld [smem:$0x3FB4];
	_ =	sdelay $0x3  }
0x36: {  	p1 =	seq.s32 s10, $0x1;
	s10 =	sld [smem:$0x3FB5];
	_ =	sdelay $0x3  }
0x37: {  	[smem:$0x3FB5] =	sst s10  }
0x38: {  	s10 =	sld [smem:$0x3FB6]  }
0x39: {  	_ = 	snop;
	(pc) =	sbr.ind lr, $3  }
0x3a: {  	_ = 	snop  }
0x3b: {  	_ = 	snop  }
0x3c: {  	p2 =	seq.s32 s10, $0x1;
	s10 =	sld [smem:$0x3FB5]  }
0x3d: {  	_ =	shalt  }
0x3e: {  	_ =	shalt  }
0x3f: {  	_ =	shalt  }
0x40: {  	_ =	shalt  }
0x41: {  	_ =	shalt  }
0x42: {  	_ =	shalt  }
0x43: {  	_ =	shalt  }
0x44: {  	_ =	shalt  }
0x45: {  	_ =	shalt  }
0x46: {  	_ =	shalt  }
0x47: {  	_ =	shalt  }
0x48: {  	_ =	shalt  }
0x49: {  	_ =	shalt  }
0x4a: {  	_ =	shalt  }
0x4b: {  	_ =	shalt  }
0x4c: {  	_ =	shalt  }
0x4d: {  	_ =	shalt  }
0x4e: {  	_ =	shalt  }
0x4f: {  	_ =	shalt  }
0x50: {  	_ =	shalt  }
0x51: {  	_ =	shalt  }
0x52: {  	_ =	shalt  }
0x53: {  	_ =	shalt  }
0x54: {  	_ =	shalt  }
0x55: {  	_ =	shalt  }
0x56: {  	_ =	shalt  }
0x57: {  	_ =	shalt  }
0x58: {  	_ =	shalt  }
0x59: {  	_ =	shalt  }
0x5a: {  	_ =	shalt  }
0x5b: {  	_ =	shalt  }
0x5c: {  	_ =	shalt  }
0x5d: {  	_ =	shalt  }
0x5e: {  	_ =	shalt  }
0x5f: {  	_ =	shalt  }
0x60: {  	_ =	shalt  }
0x61: {  	_ =	shalt  }
0x62: {  	_ =	shalt  }
0x63: {  	_ =	shalt  }
0x64: {  	_ =	shalt  }
0x65: {  	_ =	shalt  }
0x66: {  	_ =	shalt  }
0x67: {  	_ =	shalt  }
0x68: {  	_ =	shalt  }
0x69: {  	_ =	shalt  }
0x6a: {  	_ =	shalt  }
0x6b: {  	_ =	shalt  }
0x6c: {  	_ =	shalt  }
0x6d: {  	_ =	shalt  }
0x6e: {  	_ =	shalt  }
0x6f: {  	_ =	shalt  }
0x70: {  	_ =	shalt  }
0x71: {  	_ =	shalt  }
0x72: {  	_ =	shalt  }
0x73: {  	_ =	shalt  }
0x74: {  	_ =	shalt  }
0x75: {  	_ =	shalt  }
0x76: {  	_ =	shalt  }
0x77: {  	_ =	shalt  }
0x78: {  	_ =	shalt  }
0x79: {  	_ =	shalt  }
0x7a: {  	_ =	shalt  }
0x7b: {  	_ =	shalt  }
0x7c: {  	_ =	shalt  }
0x7d: {  	_ =	shalt  }
0x7e: {  	_ =	shalt  }
0x7f: {  	_ =	shalt  }
0x80: {  	_ =	shalt  }
0x81: {  	_ =	shalt  }
0x82: {  	_ =	shalt  }
0x83: {  	_ =	shalt  }
0x84: {  	_ =	shalt  }
0x85: {  	_ =	shalt  }
0x86: {  	_ =	shalt  }
0x87: {  	_ =	shalt  }
.Lfunc_end0:
.L_simem_size_0:
called_computation_lowered:
.L_overlay_start_0:
0x88: {  	s2 =	sld [smem:$0x3FD9]  }
0x89: {  	s3 =	sld [smem:$0x3FFE];
	_ =	sdelay $0x1  }
0x8a: {  	s1 =	srdreg.scid  }
0x8b: {  	s0 =	sand.u32 $0x1, s1  }
0x8c: {  	s17 =	sshll.u32 s0, $0xA;
	s2 =	sadd.s32 s3, s2  }
0x8d: {  	s2 =	sadd.s32 s2, s17  }
0x8e: {  	[smem:$0x3FC1] =	sst s2  }
0x8f: {  	_ = 	snop  }
0x90: {  	s2 =	sld [smem:$0x3FD0];
	(tm) =	ssettm $0x1  }
0x91: {  	s18 =	sld [smem:$0x3FFB];
	_ =	sdelay $0x3  }
0x92: {  	_ =	strace s18  }
0x93: {  	s3 =	sld [smem:$0x3FFC];
	_ =	sdelay $0x3  }
0x94: {  	_ =	strace s3  }
0x95: {  	s3 =	sld [smem:$0x3FFD];
	_ =	sdelay $0x3  }
0x96: {  	_ =	strace s3  }
0x97: {  	_ =	strace $0x8FFFFFFF  }
0x98: {  	s19 =	sld [smem:$0x3FDB];
	_ =	sdelay $0x1  }
0x99: {  	s4 =	simm.s32 $_scs_section_size  }
0x9a: {  	s5 =	simm.s32 $_size__tile_overlayer_lowered;
	s6 =	simm.s32 $_tile_overlayer_lowered  }
0x9b: {  	s22 =	simm.s32 $0x1BFF;
	s21 =	sshll.u32 s6, $0x1;
	s3 =	sadd.s32 s4, s19  }
0x9c: {  	s7 =	simm.s32 $0x0;
	s20 =	sshll.u32 s5, $0x1;
	s5 =	sadd.s32 s21, s3  }
0x9d: {  	[timem:s7], [sflag:s22] =	dma.local [hbm:s5], s20  }
0x9e: {  	_ =	swait.ge [sflag:s22], s20  }
0x9f: {  	s4 =	ssub.s32 $0x0, s20;
	[sflag:s22] =	ssyncset.done $0x0  }
0xa0: {  	[sflag:s22] =	ssyncadd.s32 s4;
	_ =	sdelay $0x1  }
0xa1: {  	s23 =	simm.s32 $0x1B8B  }
0xa2: {  	_ =	swait.ge [sflag:s23], $0x1  }
0xa3: {  	[sflag:s23] =	ssyncset.done $0x0  }
0xa4: {  	s25 =	simm.s32 $0x1B8E;
	s24 =	sld [smem:$0x3FFE];
	[sflag:s23] =	ssyncadd.s32 $0xFFFFFFFF  }
0xa5: {  	s26 =	simm.s32 $execute0_lowered;
	[smem:$0x3FD2] =	sst s25  }
0xa6: {  	s5 =	sshll.u32 s26, $0x1;
	_ =	strace $0x80000046;
	[dreg:$0x1] =	wrdreg $0xFFFFFFFF  }
0xa7: {  	s28 =	simm.s32 $_size_execute0_lowered;
	s3 =	sadd.s32 s3, s5;
	[dreg:$0x0] =	wrdreg $0x0  }
0xa8: {  	s5 =	sshll.u32 s28, $0x1;
	[dreg:$0x2] =	wrdreg s3  }
0xa9: {  	[dreg:$0x3] =	wrdreg s5  }
0xaa: {  	[dreg:$0x4] =	wrdreg $0xC0  }
0xab: {  	_ =	task [dreg:s7], $0x5FFFF  }
0xac: {  	[dreg:$0x1] =	wrdreg $0xFFFFFFFF  }
0xad: {  	[dreg:$0x0] =	wrdreg $0x60  }
0xae: {  	[dreg:$0x2] =	wrdreg s2  }
0xaf: {  	[dreg:$0x3] =	wrdreg s24  }
0xb0: {  	[dreg:$0x4] =	wrdreg $0x9  }
0xb1: {  	_ =	task.clear_ibuf [dreg:s7], $0x5FFFF;
	_ =	strace $0x90000046  }
0xb2: {  	s29 =	simm.s32 $0x9;
	_ =	strace $0x80000048  }
0xb3: {  	_ =	swait.ge [sflag:s29], $0x1  }
0xb4: {  	[sflag:s29] =	ssyncadd.s32 $0xFFFFFFFF  }
0xb5: {  	_ =	strace $0x90000048  }
0xb6: {  	_ =	sfence  }
0xb7: {  	s30 =	sld [smem:$0x0];
	_ =	sdelay $0x2  }
0xb8: {  	s31 =	sshll.u32 s1, $0xD;
	s1 =	sshrl.u32 s1, $0x2  }
0xb9: {  	s3 =	sand.u32 $0x4000, s31;
	s1 =	sadd.s32 s1, s30  }
0xba: {  	s0 =	sor.u32 s3, s0;
	s1 =	sshll.u32 s1, $0x11  }
0xbb: {  	s0 =	sor.u32 s1, s0  }
0xbc: {  	s0 =	sadd.s32 $0x8F2B, s0  }
0xbd: {  	[sflag:s0] =	ssyncadd.remote.s32 $0x1  }
0xbe: {  	_ =	sfence.sel $0xFFFF  }
0xbf: {  	[dreg:$0x0] =	wrdreg $0xFFFFFFFF;
	(pc) =	sbr.abs _section_cstart, $3  }
0xc0: {  	[dreg:$0x1] =	wrdreg $0xFFFFFFFF  }
0xc1: {  	_ =	task.clear_ibuf [dreg:s7], $0x2FFFF;
	_ =	strace $0x9FFFFFFF  }
0xc2: {  	(tm) =	ssettm $0x7FFFFFFF  }
0xc3: {  	_ =	shalt  }
tec
execute0_lowered:
.L_overlay_start_1:
0x0: {  	(tag) =	ssettag $0x1  }
0x1: {  	s3 =	rddreg [dreg:$0x0]  }
0x2: {  	s4 =	rddreg [dreg:$0x1]  }
0x3: {  	s0 =	rddreg [dreg:$0x2];
	s1 =	stileid.u32  }
0x4: {  	s5 =	srdreg.scid;
	s2 =	simm.s32 $0x0;
	s11 =	simm.s32 $0x1  }
0x5: {  	s12 =	simm.s32 $0x800;
	s13 =	simm.s32 $0x1000;
	s15 =	simm.s32 $0x40000000  }
0x6: {  	s16 =	simm.s32 $0x9800;
	s17 =	simm.s32 $0x9A00;
	s18 =	simm.s32 $0x0  }
0x7: {  	s5 =	sand.u32 $0x1, s5;
	s6 =	sshll.u32 s1, $0x1;
	[smem:$0x7FF] =	sst s2  }
0x8: {  	s7 =	sshll.u32 s1, $0x3;
	s6 =	sor.u32 s5, s6;
	_ =	strace $0x80000047  }
0x9: {  	s7 =	sand.u32 $0x70, s7;
	s5 =	ssub.s32 $0x2, s5;
	s14 =	sshll.u32 s6, $0x9  }
0xa: {  	s6 =	sshll.u32 s6, $0x7;
	s31 =	sadd.s32 s7, s4;
	s9 =	sshrl.u32 s5, $0x1  }
0xb: {  	s3 =	sadd.s32 s3, s7;
	s8 =	sand.u32 $0x3000, s14;
	s6 =	sand.u32 $0x380, s6  }
0xc: {  	s9 =	ssub.s32 s5, s9;
	s5 =	sadd.s32 $0x1C00, s31;
	s6 =	sor.u32 s6, s8  }
0xd: {  	s14 =	sand.u32 $0x780, s14;
	s8 =	smax.u32 s9, $0x1;
	s6 =	sshrl.u32 s6, $0x3  }
0xe: {  	s9 =	simm.s32 $0x80;
	s10 =	sadd.s32 s6, s4;
	s4 =	sadd.s32 $0x2400, s31  }
0xf: {  	v0 =	vlaneseq.u32;
	v1 =	vimm.s32 $0x0;
	s6 =	sadd.s32 $0x2C00, s10;
	s7 =	sadd.s32 $0x3400, s10;
	s10 =	simm.s32 $0x400  }
.LBB2_1:
0x10: {  	[tilespmem:s2], [sflag:$0x1] =	stream.strided.gather [hbm4b:s3+s9], $0x800, s10, s9, $0x38;
	[tilespmem:$0x9C00] =	vst v63  }
0x11: {  	_ =	swait.ge [sflag:s11], $0x800  }
0x12: {  	[sflag:s11] =	ssyncset.done $0x0  }
0x13: {  	[sflag:s11] =	ssyncadd.s32 $0xFFFFF800  }
0x14: {  	[tilespmem:s12], [sflag:$0x1] =	stream.strided.gather [hbm4b:s4+s9], $0x800, s10, s9, $0x38;
	[tilespmem:$0x9C00] =	vst v63  }
0x15: {  	_ =	swait.ge [sflag:s11], $0x800  }
0x16: {  	[sflag:s11] =	ssyncset.done $0x0  }
0x17: {  	[sflag:s11] =	ssyncadd.s32 $0xFFFFF800  }
0x18: {  	[tilespmem:s13], [sflag:$0x1] =	stream.strided.gather [hbm4b:s5+s9], $0x800, s10, s9, $0x38;
	[tilespmem:$0x9C00] =	vst v63  }
0x19: {  	_ =	swait.ge [sflag:s11], $0x800  }
0x1a: {  	[sflag:s11] =	ssyncset.done $0x0  }
0x1b: {  	s19 =	simm.s32 $0x0;
	[sflag:s11] =	ssyncadd.s32 $0xFFFFF800  }
.LBB2_2:
0x1c: {  	s20 =	sshll.u32 s19, $0x4  }
0x1d: {  	s21 =	sand.u32 $0x7F0, s20  }
0x1e: {  	s21 =	sor.u32 s14, s21  }
0x1f: {  	v2 =	vld [tilespmem:s21+$0x0]  }
0x20: {  	v3 =	vld [tilespmem:s21+$0x800]  }
0x21: {  	s22 =	simm.s32 $0x1820;
	s23 =	simm.s32 $0x0;
	v4 =	vld [tilespmem:s21+$0x1000];
	s21 =	simm.s32 $0x0  }
.LBB2_3:
0x22: {  	s24 =	sshll.u32 s23, $0x4  }
0x23: {  	v5 =	vld [tilespmem:s24+$0x0]  }
0x24: {  	v6 =	vld [tilespmem:s24+$0x1000]  }
0x25: {  	v7 =	vld [tilespmem:s24+$0x800]  }
0x26: {  	s30 =	simm.s32 $0x1;
	s25 =	simm.s32 $0x2  }
0x27: {  	v8 =	vadd.s32 s30, v0;
	v9 =	vadd.s32 s25, v0  }
0x28: {  	v10 =	vadd.s32 s21, v0;
	s31 =	simm.s32 $0x3;
	v8 =	vand.u32 $0xF, v8;
	v9 =	vand.u32 $0xF, v9  }
0x29: {  	v13 =	vadd.s32 s31, v0;
	v11 =	vperm.xlane v5, v8;
	v12 =	vperm.xlane v6, v9  }
0x2a: {  	v10 =	vand.u32 $0xF, v10;
	v14 =	vperm.xlane v7, v8;
	v15 =	vperm.xlane v5, v9  }
0x2b: {  	v13 =	vand.u32 $0xF, v13;
	v16 =	vperm.xlane v6, v10;
	v8 =	vperm.xlane v6, v8  }
0x2c: {  	v18 =	vperm.xlane v7, v10;
	v9 =	vperm.xlane v7, v9;
	v11 =	vsub.f32 v11, v2  }
0x2d: {  	v10 =	vperm.xlane v5, v10;
	v15 =	vsub.f32 v15, v2;
	v12 =	vsub.f32 v12, v4  }
0x2e: {  	v18 =	vsub.f32 v18, v3;
	v17 =	vmul.f32 v11, v11;
	v11 =	vperm.xlane v5, v13  }
0x2f: {  	v8 =	vsub.f32 v8, v4;
	v19 =	vmul.f32 v15, v15;
	v15 =	vperm.xlane v7, v13  }
0x30: {  	v21 =	vsub.f32 v9, v3;
	v10 =	vsub.f32 v10, v2;
	v13 =	vperm.xlane v6, v13  }
0x31: {  	v9 =	vmul.f32 v12, v12;
	v11 =	vsub.f32 v11, v2;
	v15 =	vsub.f32 v15, v3  }
0x32: {  	v12 =	vsub.f32 v14, v3;
	v8 =	vmul.f32 v8, v8;
	v21 =	vmul.f32 v21, v21  }
0x33: {  	v20 =	vmul.f32 v11, v11;
	v14 =	vmul.f32 v15, v15;
	v15 =	vsub.f32 v13, v4  }
0x34: {  	v16 =	vsub.f32 v16, v4;
	v11 =	vmul.f32 v18, v18;
	v18 =	vmul.f32 v12, v12  }
0x35: {  	v13 =	vadd.f32 v14, v20;
	v14 =	vmul.f32 v10, v10;
	v15 =	vmul.f32 v15, v15  }
0x36: {  	s26 =	sadd.s32 $0x40, s22;
	s25 =	simm.s32 $0x4;
	s24 =	smov.u32 s22;
	v12 =	vmul.f32 v16, v16;
	v16 =	vadd.f32 v21, v19;
	v10 =	vadd.f32 v18, v17  }
.LBB2_4:
0x37: {  	v17 =	vadd.s32 s25, v0;
	s28 =	sadd.s32 $0x1, s25;
	s29 =	sadd.s32 $0x2, s25;
	s30 =	sadd.s32 $0x3, s25;
	v11 =	vadd.f32 v11, v14;
	v13 =	vadd.f32 v15, v13  }
0x38: {  	p0 =	slt.u32 s25, $0xC;
	s25 =	sadd.s32 $0x4, s25;
	v14 =	vadd.s32 s28, v0;
	v15 =	vadd.s32 s29, v0;
	v9 =	vadd.f32 v9, v16  }
0x39: {  	v14 =	vand.u32 $0xF, v14;
	v15 =	vand.u32 $0xF, v15;
	v11 =	vadd.f32 v12, v11;
	[tilespmem:s24+$0x10] =	vst v13  }
0x3a: {  	v16 =	vadd.s32 s30, v0;
	v12 =	vperm.xlane v5, v14;
	v13 =	vperm.xlane v6, v15;
	[tilespmem:s24+$0x0] =	vst v9  }
0x3b: {  	v8 =	vadd.f32 v8, v10;
	v18 =	vperm.xlane v7, v14;
	v9 =	vperm.xlane v5, v15;
	[tilespmem:s24+$0xFFFFFFE0] =	vst v11  }
0x3c: {  	v10 =	vand.u32 $0xF, v17;
	v11 =	vsub.f32 v12, v2;
	v12 =	vand.u32 $0xF, v16  }
0x3d: {  	v14 =	vperm.xlane v6, v14;
	v16 =	vperm.xlane v6, v10;
	v9 =	vsub.f32 v9, v2;
	[tilespmem:s24+$0xFFFFFFF0] =	vst v8;
	s24 =	smov.u32 s26  }
0x3e: {  	v8 =	vsub.f32 v13, v4;
	v17 =	vmul.f32 v11, v11;
	v11 =	vperm.xlane v5, v12  }
0x3f: {  	v13 =	vperm.xlane v7, v10;
	v19 =	vmul.f32 v9, v9  }
0x40: {  	v9 =	vperm.xlane v7, v15;
	v15 =	vperm.xlane v7, v12;
	v11 =	vsub.f32 v11, v2  }
0x41: {  	v14 =	vsub.f32 v14, v4;
	v10 =	vperm.xlane v5, v10;
	v13 =	vsub.f32 v13, v3  }
0x42: {  	v12 =	vperm.xlane v6, v12;
	v15 =	vsub.f32 v15, v3;
	v20 =	vmul.f32 v11, v11  }
0x43: {  	v16 =	vsub.f32 v16, v4;
	v21 =	vsub.f32 v9, v3;
	v9 =	vmul.f32 v8, v8  }
.Ltmp0:
0x44: {  	v18 =	vsub.f32 v18, v3;
	v10 =	vsub.f32 v10, v2;
	v15 =	vmul.f32 v15, v15;
	(pc) =	sbr.rel @p0 .LBB2_4-.Ltmp0, $4  }
0x45: {  	v8 =	vmul.f32 v14, v14;
	v12 =	vsub.f32 v12, v4;
	v11 =	vmul.f32 v13, v13  }
0x46: {  	v18 =	vmul.f32 v18, v18;
	v21 =	vmul.f32 v21, v21;
	v13 =	vadd.f32 v15, v20  }
0x47: {  	v14 =	vmul.f32 v10, v10;
	v15 =	vmul.f32 v12, v12  }
0x48: {  	s26 =	sadd.s32 $0x40, s26;
	v10 =	vadd.f32 v18, v17;
	v12 =	vmul.f32 v16, v16;
	v16 =	vadd.f32 v21, v19  }
0x49: {  	s23 =	sadd.s32 $0x1, s23  }
0x4a: {  	v5 =	vadd.f32 v11, v14;
	v6 =	vadd.f32 v15, v13;
	p0 =	sne.s32 s23, $0x80  }
.Ltmp1:
0x4b: {  	v7 =	vadd.f32 v9, v16;
	(pc) =	sbr.rel @p0 .LBB2_3-.Ltmp1, $4  }
0x4c: {  	v5 =	vadd.f32 v12, v5;
	[tilespmem:s24+$0x10] =	vst v6  }
0x4d: {  	v6 =	vadd.f32 v8, v10;
	[tilespmem:s24+$0x0] =	vst v7  }
0x4e: {  	[tilespmem:s24+$0xFFFFFFE0] =	vst v5  }
0x4f: {  	s22 =	sadd.s32 $0x100, s22;
	[tilespmem:s24+$0xFFFFFFF0] =	vst v6  }
0x50: {  	s21 =	simm.s32 $0x0;
	v3 =	vimm.s32 $0x0;
	v2 =	vimm.s32 $0x0  }
.LBB2_7:
0x51: {  	s23 =	simm.s32 $0x1840  }
0x52: {  	v6 =	vld [tilespmem:s23+$0xFFFFFFC0]  }
0x53: {  	v7 =	vld [tilespmem:s23+$0xFFFFFFD0]  }
0x54: {  	v9 =	vld [tilespmem:s23+$0xFFFFFFE0]  }
0x55: {  	s22 =	sshrl.u32 s15, s21;
	v8 =	vld [tilespmem:s23+$0xFFFFFFF0]  }
0x56: {  	v4 =	vor.u32 s22, v2;
	v5 =	vld [tilespmem:s23+$0x0]  }
0x57: {  	vm0 =	vlt.s32 v6, v4;
	v6 =	vld [tilespmem:s23+$0x10]  }
0x58: {  	v10 =	vsel vm0, $0x1, v1;
	vm0 =	vlt.s32 v7, v4;
	v7 =	vld [tilespmem:s23+$0x20]  }
0x59: {  	s22 =	simm.s32 $0x0;
	v10 =	vadd.s32 v10, v3;
	v11 =	vsel vm0, $0x1, v1;
	vm0 =	vlt.s32 v9, v4;
	v9 =	vld [tilespmem:s23+$0x30];
	s23 =	simm.s32 $0x18C0  }
.LBB2_8:
0x5a: {  	v12 =	vld [tilespmem:s23+$0xFFFFFFC0];
	s22 =	sadd.s32 $0x8, s22;
	v10 =	vadd.s32 v11, v10;
	v11 =	vsel vm0, $0x1, v1;
	vm0 =	vlt.s32 v8, v4  }
0x5b: {  	v13 =	vld [tilespmem:s23+$0xFFFFFFD0];
	p0 =	slt.u32 s22, $0x7F8;
	v8 =	vadd.s32 v11, v10;
	v10 =	vsel vm0, $0x1, v1;
	vm0 =	vlt.s32 v5, v4  }
0x5c: {  	v14 =	vld [tilespmem:s23+$0xFFFFFFE0];
	v5 =	vadd.s32 v10, v8;
	v10 =	vsel vm0, $0x1, v1;
	vm0 =	vlt.s32 v6, v4  }
.Ltmp2:
0x5d: {  	v8 =	vld [tilespmem:s23+$0xFFFFFFF0];
	v6 =	vadd.s32 v10, v5;
	v10 =	vsel vm0, $0x1, v1;
	vm0 =	vlt.s32 v7, v4;
	(pc) =	sbr.rel @p0 .LBB2_8-.Ltmp2, $4  }
0x5e: {  	v5 =	vld [tilespmem:s23+$0x0];
	v7 =	vadd.s32 v10, v6;
	v10 =	vsel vm0, $0x1, v1;
	vm0 =	vlt.s32 v9, v4  }
0x5f: {  	vm1 =	vlt.s32 v12, v4;
	v6 =	vld [tilespmem:s23+$0x10];
	v9 =	vadd.s32 v10, v7;
	v10 =	vsel vm0, $0x1, v1  }
0x60: {  	v11 =	vsel vm1, $0x1, v1;
	vm0 =	vlt.s32 v13, v4;
	v7 =	vld [tilespmem:s23+$0x20];
	v9 =	vadd.s32 v10, v9  }
0x61: {  	v10 =	vadd.s32 v11, v9;
	v11 =	vsel vm0, $0x1, v1;
	vm0 =	vlt.s32 v14, v4;
	v9 =	vld [tilespmem:s23+$0x30];
	s23 =	sadd.s32 $0x80, s23  }
0x62: {  	v10 =	vadd.s32 v11, v10;
	v58 =	vsel vm0, $0x1, v1;
	vm10 =	vlt.s32 v8, v4  }
0x63: {  	v59 =	vadd.s32 v58, v10;
	v60 =	vsel vm10, $0x1, v1;
	vm11 =	vlt.s32 v5, v4  }
0x64: {  	s21 =	sadd.s32 $0x1, s21;
	v5 =	vadd.s32 v60, v59;
	v61 =	vsel vm11, $0x1, v1;
	vm12 =	vlt.s32 v6, v4  }
0x65: {  	p0 =	sne.s32 s21, $0x11;
	v5 =	vadd.s32 v61, v5;
	v6 =	vsel vm12, $0x1, v1;
	vm13 =	vlt.s32 v7, v4  }
.Ltmp3:
0x66: {  	v5 =	vadd.s32 v6, v5;
	v62 =	vsel vm13, $0x1, v1;
	vm14 =	vlt.s32 v9, v4;
	(pc) =	sbr.rel @p0 .LBB2_7-.Ltmp3, $4  }
0x67: {  	v5 =	vadd.s32 v62, v5;
	v63 =	vsel vm14, $0x1, v1  }
0x68: {  	v5 =	vadd.s32 v63, v5  }
0x69: {  	vm15 =	vlt.s32 v5, $0x20  }
0x6a: {  	v2 =	vsel vm15, v4, v2  }
0x6b: {  	s19 =	sadd.s32 $0x1, s19  }
0x6c: {  	p0 =	sne.s32 s19, $0x20  }
.Ltmp4:
0x6d: {  	_ = 	snop;
	(pc) =	sbr.rel @p0 .LBB2_2-.Ltmp4, $3  }
0x6e: {  	_ =	sdelay $0x1  }
0x6f: {  	[tilespmem:s20+$0x9800] =	vst v2;
	v2 =	vadd.s32 $0x4000, v2  }
0x70: {  	[tilespmem:s20+$0x9A00] =	vst v2  }
0x71: {  	[hbm4b:s6+s9] =	stream.strided.scatter [tilespmem:s16], [sflag:$0x1], $0x200, s10, s9, $0x38;
	[tilespmem:$0x9C00] =	vst v63  }
0x72: {  	s18 =	sadd.s32 $0x1, s18;
	_ =	swait.ge [sflag:s11], $0x200  }
0x73: {  	p0 =	sne.s32 s18, s8;
	[sflag:s11] =	ssyncset.done $0x0  }
.Ltmp5:
0x74: {  	[sflag:s11] =	ssyncadd.s32 $0xFFFFFE00;
	(pc) =	sbr.rel @p0 .LBB2_1-.Ltmp5, $4  }
0x75: {  	[hbm4b:s7+s9] =	stream.strided.scatter [tilespmem:s17], [sflag:$0x1], $0x200, s10, s9, $0x38;
	[tilespmem:$0x9C00] =	vst v63  }
0x76: {  	_ =	swait.ge [sflag:s11], $0x200  }
0x77: {  	[sflag:s11] =	ssyncset.done $0x0  }
0x78: {  	[sflag:s11] =	ssyncadd.s32 $0xFFFFFE00  }
0x79: {  	_ =	sfence.sel $0x180000  }
0x7a: {  	[bflag:$0x0] =	sbarrier.arrive $0xFFFF  }
0x7b: {  	p0 =	sne.s32 s1, $0x0;
	_ =	strace $0x90000047  }
0x7c: {  	s0 =	sadd.s32 @!p0 $0x100000, s0;
	[bflag:$0x2] =	sbarrier.arrive $0xFFFF  }
0x7d: {  	[sflag:s0] =	ssyncadd.tile.s32 @!p0 $0x1;
	_ =	shalt  }
.Lfunc_end2:
_tile_overlayer_lowered:
.L_overlay_start_2:
0x7e: {  	(tag) =	ssettag $0x2  }
0x7f: {  	s0 =	rddreg [dreg:$0x0];
	s2 =	stileid.u32  }
0x80: {  	s1 =	rddreg [dreg:$0x1];
	p0 =	sne.s32 s2, $0x0  }
0x81: {  	s3 =	rddreg [dreg:$0x2];
	[bflag:$0x3] =	sbarrier.arrive $0xFFFF;
	s2 =	simm.s32 @!p0 $0x1C01  }
0x82: {  	[timem:s3], [sflag:s2] =	dma.local @!p0 [hbm:s0], s1  }
0x83: {  	s0 =	simm.s32 @!p0 $0x1  }
0x84: {  	_ =	swait.ge @!p0 [sflag:s0], s1  }
0x85: {  	s1 =	ssub.s32 @!p0 $0x0, s1;
	[sflag:s0] =	ssyncset.done @!p0 $0x0  }
0x86: {  	[sflag:s0] =	ssyncadd.s32 @!p0 s1  }
0x87: {  	[bflag:$0x3] =	sbarrier.arrive $0xFFFF  }
0x88: {  	_ =	shalt  }

</sc_bundles>
